<compile_context>
chip_gen: v7x
topology: tpu7x:2x2x1
jax: 0.10.2.dev20260603
libtpu: 0.0.44.dev20260713+nightly
codegen_flags: <defaults>
</compile_context>

<pallas_src>
import functools

import jax
import jax.numpy as jnp
from jax import lax
from jax.experimental import pallas as pl
from jax.experimental.pallas import tpu as pltpu
from jax.experimental.pallas import tpu_sc as plsc

NUM_CORES = 2
NUM_SUBCORES = 16
NW = NUM_CORES * NUM_SUBCORES
NPIECE = 5

_mesh = plsc.VectorSubcoreMesh(core_axis_name="core", subcore_axis_name="subcore")
_sc_params = pltpu.CompilerParams(use_tc_tiling_on_sc=False)
_sc_params_nl = pltpu.CompilerParams(use_tc_tiling_on_sc=False,
                                     needs_layout_passes=False)


def _deg_kernel(n, e, npad, rpt):
  ept = e // NW
  pp = ept // NPIECE

  @functools.partial(
      pl.kernel,
      out_type=[jax.ShapeDtypeStruct((npad, 16), jnp.float32),
                jax.ShapeDtypeStruct((npad, 16), jnp.float32)],
      mesh=_mesh,
      compiler_params=_sc_params,
      scratch_types=(
          [pltpu.VMEM((pp,), jnp.int32) for _ in range(NPIECE)] + [
              pltpu.VMEM((pp, 16), jnp.float32),
              pltpu.VMEM_SHARED((npad, 16), jnp.float32),
          ] + [pltpu.SemaphoreType.DMA for _ in range(NPIECE)]
      ),
  )
  def k(ei_hbm, ones_hbm, zeros_hbm, out0, out1, *refs):
    dst_vs = refs[:NPIECE]
    ones_v = refs[NPIECE]
    acc = refs[NPIECE + 1]
    sems = refs[NPIECE + 2:NPIECE + 2 + NPIECE]
    c = lax.axis_index("core")
    s = lax.axis_index("subcore")
    w = c * NUM_SUBCORES + s
    base = w * ept
    for q in range(NPIECE):
      pltpu.sync_copy(ei_hbm.at[1, pl.ds(base + q * pp, pp)], dst_vs[q])
    pltpu.sync_copy(ones_hbm, ones_v)
    pltpu.sync_copy(zeros_hbm, acc.at[pl.ds(s * rpt, rpt)])
    plsc.subcore_barrier()

    descs = [pltpu.async_copy(ones_v, acc.at[dst_vs[q]], sems[q], add=True)
             for q in range(NPIECE)]
    for d_ in descs:
      d_.wait()

    plsc.subcore_barrier()
    src = acc.at[pl.ds(s * rpt, rpt)]

    @pl.when(c == 0)
    def _():
      pltpu.sync_copy(src, out0.at[pl.ds(s * rpt, rpt)])

    @pl.when(c == 1)
    def _():
      pltpu.sync_copy(src, out1.at[pl.ds(s * rpt, rpt)])

  return k


def _agg_kernel(n, e, npad, rpt):
  ept = e // NW
  pp = ept // NPIECE
  nr = npad // 8
  rg = rpt // 8

  @functools.partial(
      pl.kernel,
      out_type=[jax.ShapeDtypeStruct((npad, 16), jnp.float32),
                jax.ShapeDtypeStruct((npad, 16), jnp.float32)],
      mesh=_mesh,
      compiler_params=_sc_params,
      scratch_types=(
          [pltpu.VMEM((pp,), jnp.int32) for _ in range(2 * NPIECE)] + [
              pltpu.VMEM((pp, 16), jnp.float32),
              pltpu.VMEM((pp, 16), jnp.float32),
              pltpu.VMEM_SHARED((npad, 16), jnp.float32),
              pltpu.SemaphoreType.DMA,
              pltpu.SemaphoreType.DMA,
          ]
      ),
  )
  def k(t_hbm, ei_hbm, zeros_hbm, out0, out1, *refs):
    src_vs = refs[:NPIECE]
    dst_vs = refs[NPIECE:2 * NPIECE]
    bufs = refs[2 * NPIECE:2 * NPIECE + 2]
    acc = refs[2 * NPIECE + 2]
    sems = refs[2 * NPIECE + 3:2 * NPIECE + 5]
    t_tab = t_hbm
    c = lax.axis_index("core")
    s = lax.axis_index("subcore")
    w = c * NUM_SUBCORES + s
    base = w * ept
    for q in range(NPIECE):
      pltpu.sync_copy(ei_hbm.at[0, pl.ds(base + q * pp, pp)], src_vs[q])
      pltpu.sync_copy(ei_hbm.at[1, pl.ds(base + q * pp, pp)], dst_vs[q])
    pltpu.sync_copy(zeros_hbm, acc.at[pl.ds(s * rpt, rpt)])
    plsc.subcore_barrier()

    pltpu.async_copy(t_tab.at[src_vs[0]], bufs[0], sems[0])
    pltpu.async_copy(t_tab.at[src_vs[1]], bufs[1], sems[1])
    for q in range(NPIECE):
      pltpu.make_async_copy(t_tab.at[src_vs[q]], bufs[q % 2], sems[q % 2]).wait()
      pltpu.sync_copy(bufs[q % 2], acc.at[dst_vs[q]], add=True)
      if q + 2 < NPIECE:
        pltpu.async_copy(t_tab.at[src_vs[q + 2]], bufs[q % 2], sems[q % 2])

    plsc.subcore_barrier()
    src = acc.at[pl.ds(s * rpt, rpt)]

    @pl.when(c == 0)
    def _():
      pltpu.sync_copy(src, out0.at[pl.ds(s * rpt, rpt)])

    @pl.when(c == 1)
    def _():
      pltpu.sync_copy(src, out1.at[pl.ds(s * rpt, rpt)])

  return k


def kernel(x, edge_index, W1, b1, W2, b2):
  n, d = x.shape
  h = W1.shape[1]
  e = edge_index.shape[1]
  c = W2.shape[1]

  rpt = -(-(n + 1) // (NUM_SUBCORES * 64)) * 64
  npad = rpt * NUM_SUBCORES
  nr = npad // 8

  zeros16 = jnp.zeros((rpt, 16), jnp.float32)
  b1blk = jnp.tile(b1, 8).reshape(1, 8 * h)
  w2blk = jnp.kron(jnp.eye(8, dtype=jnp.float32), W2)
  b2blk = jnp.tile(b2, 8).reshape(1, 8 * c)

  deg_k = _deg_kernel(n, e, npad, rpt)
  agg_k = _agg_kernel(n, e, npad, rpt)

  bnm = 2048

  def _k_mm(x_ref, w_ref, o_ref):
    o_ref[...] = jnp.dot(x_ref[...], w_ref[...],
                         preferred_element_type=jnp.float32)

  hh = pl.pallas_call(
      _k_mm,
      grid=(npad // bnm,),
      in_specs=[pl.BlockSpec((bnm, d), lambda i: (i, 0)),
                pl.BlockSpec((d, h), lambda i: (0, 0))],
      out_specs=pl.BlockSpec((bnm, h), lambda i: (i, 0)),
      out_shape=jax.ShapeDtypeStruct((npad, h), jnp.float32),
  )(x, W1)
  hh128 = hh.reshape(nr, 8 * h)

  ones16 = jnp.ones((e // NW // NPIECE, 16), jnp.float32)
  p0n, p1n = deg_k(edge_index, ones16, zeros16)
  p0g = p0n.reshape(nr, 128)
  p1g = p1n.reshape(nr, 128)

  bne = 256
  ge = (nr // bne,)
  eb = lambda: pl.BlockSpec((bne, 128), lambda i: (i, 0))

  def _k2(p0_ref, p1_ref, hh_ref, t_ref, dis_ref):
    dis = lax.rsqrt(1.0 + p0_ref[...] + p1_ref[...])
    dis_ref[...] = dis
    t_ref[...] = hh_ref[...] * dis

  t128, dis128 = pl.pallas_call(
      _k2,
      grid=ge,
      in_specs=[eb(), eb(), eb()],
      out_specs=[eb(), eb()],
      out_shape=[jax.ShapeDtypeStruct((nr, 128), jnp.float32),
                 jax.ShapeDtypeStruct((nr, 128), jnp.float32)],
  )(p0g, p1g, hh128)

  s10n, s11n = agg_k(t128.reshape(npad, 16), edge_index, zeros16)
  s10 = s10n.reshape(nr, 128)
  s11 = s11n.reshape(nr, 128)

  def _k4(s0_ref, s1_ref, t_ref, dis_ref, b_ref, u_ref):
    agg = (s0_ref[...] + s1_ref[...] + t_ref[...]) * dis_ref[...] + b_ref[...]
    u_ref[...] = jnp.maximum(agg, 0.0) * dis_ref[...]

  u128 = pl.pallas_call(
      _k4,
      grid=ge,
      in_specs=[eb(), eb(), eb(), eb(),
                pl.BlockSpec((1, 128), lambda i: (0, 0))],
      out_specs=eb(),
      out_shape=jax.ShapeDtypeStruct((nr, 128), jnp.float32),
  )(s10, s11, t128, dis128, b1blk)

  s20n, s21n = agg_k(u128.reshape(npad, 16), edge_index, zeros16)
  s20 = s20n.reshape(nr, 128)
  s21 = s21n.reshape(nr, 128)

  def _k6(s0_ref, s1_ref, u_ref, dis_ref, w_ref, b_ref, o_ref):
    agg = (s0_ref[...] + s1_ref[...] + u_ref[...]) * dis_ref[...]
    o_ref[...] = jnp.dot(agg, w_ref[...],
                         preferred_element_type=jnp.float32) + b_ref[...]

  og = pl.pallas_call(
      _k6,
      grid=ge,
      in_specs=[eb(), eb(), eb(), eb(),
                pl.BlockSpec((128, 8 * c), lambda i: (0, 0)),
                pl.BlockSpec((1, 8 * c), lambda i: (0, 0))],
      out_specs=pl.BlockSpec((bne, 8 * c), lambda i: (i, 0)),
      out_shape=jax.ShapeDtypeStruct((n // 8, 8 * c), jnp.float32),
  )(s20, s21, u128, dis128, w2blk, b2blk)

  return og.reshape(n, c)

# --- scband reference (transcript-rebuilt; emitter-appended) ---
"""Pipeline reference for scband-wallet-gnn-48876727828547 (READ-ONLY COPY).

The authoritative reference and input builder live on the scoring server;
editing this copy changes nothing except your own understanding.
"""

import jax, jax.numpy as jnp
import numpy as np

N = 10000
E = 160000
D = 256
H = 16
C = 2


def setup_inputs(seed: int = 0) -> dict:
    key = jax.random.key(seed)
    k1, k2, k3, k4, k5, k6 = jax.random.split(key, 6)
    x = jax.random.normal(k1, (N, D), dtype=jnp.float32)
    edge_index = jax.random.randint(k2, (2, E), 0, N, dtype=jnp.int32)
    # GCNConv weights (glorot-style scale) and biases
    W1 = jax.random.normal(k3, (D, H), dtype=jnp.float32) * (1.0 / np.sqrt(D))
    b1 = jnp.zeros((H,), dtype=jnp.float32)
    W2 = jax.random.normal(k4, (H, C), dtype=jnp.float32) * (1.0 / np.sqrt(H))
    b2 = jnp.zeros((C,), dtype=jnp.float32)
    return {"x": x, "edge_index": edge_index, "W1": W1, "b1": b1, "W2": W2, "b2": b2}


def _gcn_conv(x, edge_index, W, b):
    # Faithful PyG GCNConv: linear transform, add self-loops, symmetric norm,
    # scatter-add aggregation, bias.
    n = x.shape[0]
    src = edge_index[0]
    dst = edge_index[1]
    loop = jnp.arange(n, dtype=src.dtype)
    src = jnp.concatenate([src, loop])
    dst = jnp.concatenate([dst, loop])
    h = x @ W
    deg = jnp.zeros((n,), dtype=h.dtype).at[dst].add(1.0)
    deg_inv_sqrt = jnp.where(deg > 0, jax.lax.rsqrt(jnp.maximum(deg, 1e-12)), 0.0)
    norm = deg_inv_sqrt[src] * deg_inv_sqrt[dst]
    msg = h[src] * norm[:, None]
    out = jnp.zeros_like(h).at[dst].add(msg)
    return out + b


def reference(x, edge_index, W1, b1, W2, b2):
    h = jax.nn.relu(_gcn_conv(x, edge_index, W1, b1))
    out = _gcn_conv(h, edge_index, W2, b2)
    return out

if __name__ == "__main__":
    import jax
    _d = setup_inputs()
    print(jax.jit(kernel)(*tuple(_d.values())))

</pallas_src>

<mosaic_0001>
#map = affine_map<(d0, d1) -> (0, 0)>
module attributes {stable_mosaic.version = 14 : i64} {
  func.func @k(%arg0: i32, %arg1: i32, %arg2: memref<10240x16xf32, #tpu.memory_space<hbm>>, %arg3: memref<2x160000xi32, #tpu.memory_space<hbm>>, %arg4: memref<640x16xf32, #tpu.memory_space<hbm>>, %arg5: memref<10240x16xf32, #tpu.memory_space<hbm>>, %arg6: memref<10240x16xf32, #tpu.memory_space<hbm>>, %arg7: memref<1000xi32, #tpu.memory_space<vmem>>, %arg8: memref<1000xi32, #tpu.memory_space<vmem>>, %arg9: memref<1000xi32, #tpu.memory_space<vmem>>, %arg10: memref<1000xi32, #tpu.memory_space<vmem>>, %arg11: memref<1000xi32, #tpu.memory_space<vmem>>, %arg12: memref<1000xi32, #tpu.memory_space<vmem>>, %arg13: memref<1000xi32, #tpu.memory_space<vmem>>, %arg14: memref<1000xi32, #tpu.memory_space<vmem>>, %arg15: memref<1000xi32, #tpu.memory_space<vmem>>, %arg16: memref<1000xi32, #tpu.memory_space<vmem>>, %arg17: memref<1000x16xf32, #tpu.memory_space<vmem>>, %arg18: memref<1000x16xf32, #tpu.memory_space<vmem>>, %arg19: memref<10240x16xf32, #tpu.memory_space<vmem_shared>>, %arg20: memref<!tpu.dma_semaphore, #tpu.memory_space<semaphore_mem>>, %arg21: memref<!tpu.dma_semaphore, #tpu.memory_space<semaphore_mem>>) attributes {dimension_semantics = [#tpu.dimension_semantics<core_parallel>, #tpu.dimension_semantics<subcore_parallel>], iteration_bounds = array<i64: 2, 16>, scalar_prefetch = 0 : i64, scratch_operands = 15 : i64, tpu.core_type = #tpu.core_type<sc_vector_subcore>, window_params = [{transform_indices = #map}, {transform_indices = #map}, {transform_indices = #map}, {transform_indices = #map}, {transform_indices = #map}]} {
    %mul3A = arith.constant 16 : i32
    %mul3A_0 = arith.muli %arg0, %mul3A : i32
    %add3A = arith.addi %mul3A_0, %arg1 : i32
    %mul3A_1 = arith.constant 5000 : i32
    %mul3A_2 = arith.muli %add3A, %mul3A_1 : i32
    %add3A_3 = arith.constant 0 : i32
    %add3A_4 = arith.addi %mul3A_2, %add3A_3 : i32
    %run_scoped3A = arith.constant 0 : i32
    "tpu.region"() ({
      %run_scoped3A_72 = tpu.sem_alloc : memref<!tpu.dma_semaphore, #tpu.memory_space<semaphore_mem>>
      %dma_start3A_73 = tpu.memref_slice %arg3[%run_scoped3A, %add3A_4] : memref<2x160000xi32, #tpu.memory_space<hbm>> -> memref<1x1000xi32, #tpu.memory_space<hbm>>
      %dma_start3A_74 = tpu.memref_squeeze %dma_start3A_73 : memref<1x1000xi32, #tpu.memory_space<hbm>> -> memref<1000xi32, #tpu.memory_space<hbm>>
      %dma_start3A_75 = tpu.memref_slice %arg3[%run_scoped3A, %add3A_4] : memref<2x160000xi32, #tpu.memory_space<hbm>> -> memref<1x1000xi32, #tpu.memory_space<hbm>>
      %dma_start3A_76 = tpu.memref_squeeze %dma_start3A_75 : memref<1x1000xi32, #tpu.memory_space<hbm>> -> memref<1000xi32, #tpu.memory_space<hbm>>
      tpu.enqueue_dma source(%dma_start3A_76 : memref<1000xi32, #tpu.memory_space<hbm>>) target(%arg7 : memref<1000xi32, #tpu.memory_space<vmem>>) target_semaphore(%run_scoped3A_72 : memref<!tpu.dma_semaphore, #tpu.memory_space<semaphore_mem>>)
      %dma_wait3A_77 = tpu.memref_slice %arg3[%run_scoped3A, %add3A_4] : memref<2x160000xi32, #tpu.memory_space<hbm>> -> memref<1x1000xi32, #tpu.memory_space<hbm>>
      %dma_wait3A_78 = tpu.memref_squeeze %dma_wait3A_77 : memref<1x1000xi32, #tpu.memory_space<hbm>> -> memref<1000xi32, #tpu.memory_space<hbm>>
      %dma_wait3A_79 = tpu.memref_slice %arg3[%run_scoped3A, %add3A_4] : memref<2x160000xi32, #tpu.memory_space<hbm>> -> memref<1x1000xi32, #tpu.memory_space<hbm>>
      %dma_wait3A_80 = tpu.memref_squeeze %dma_wait3A_79 : memref<1x1000xi32, #tpu.memory_space<hbm>> -> memref<1000xi32, #tpu.memory_space<hbm>>
      tpu.wait_dma2 semaphore(%run_scoped3A_72 : memref<!tpu.dma_semaphore, #tpu.memory_space<semaphore_mem>>) src(%dma_wait3A_80 : memref<1000xi32, #tpu.memory_space<hbm>>) dst(%arg7 : memref<1000xi32, #tpu.memory_space<vmem>>)
      tpu.yield
    }) : () -> ()
    %add3A_5 = arith.constant 0 : i32
    %add3A_6 = arith.addi %mul3A_2, %add3A_5 : i32
    %run_scoped3A_7 = arith.constant 1 : i32
    "tpu.region"() ({
      %run_scoped3A_72 = tpu.sem_alloc : memref<!tpu.dma_semaphore, #tpu.memory_space<semaphore_mem>>
      %dma_start3A_73 = tpu.memref_slice %arg3[%run_scoped3A_7, %add3A_6] : memref<2x160000xi32, #tpu.memory_space<hbm>> -> memref<1x1000xi32, #tpu.memory_space<hbm>>
      %dma_start3A_74 = tpu.memref_squeeze %dma_start3A_73 : memref<1x1000xi32, #tpu.memory_space<hbm>> -> memref<1000xi32, #tpu.memory_space<hbm>>
      %dma_start3A_75 = tpu.memref_slice %arg3[%run_scoped3A_7, %add3A_6] : memref<2x160000xi32, #tpu.memory_space<hbm>> -> memref<1x1000xi32, #tpu.memory_space<hbm>>
      %dma_start3A_76 = tpu.memref_squeeze %dma_start3A_75 : memref<1x1000xi32, #tpu.memory_space<hbm>> -> memref<1000xi32, #tpu.memory_space<hbm>>
      tpu.enqueue_dma source(%dma_start3A_76 : memref<1000xi32, #tpu.memory_space<hbm>>) target(%arg12 : memref<1000xi32, #tpu.memory_space<vmem>>) target_semaphore(%run_scoped3A_72 : memref<!tpu.dma_semaphore, #tpu.memory_space<semaphore_mem>>)
      %dma_wait3A_77 = tpu.memref_slice %arg3[%run_scoped3A_7, %add3A_6] : memref<2x160000xi32, #tpu.memory_space<hbm>> -> memref<1x1000xi32, #tpu.memory_space<hbm>>
      %dma_wait3A_78 = tpu.memref_squeeze %dma_wait3A_77 : memref<1x1000xi32, #tpu.memory_space<hbm>> -> memref<1000xi32, #tpu.memory_space<hbm>>
      %dma_wait3A_79 = tpu.memref_slice %arg3[%run_scoped3A_7, %add3A_6] : memref<2x160000xi32, #tpu.memory_space<hbm>> -> memref<1x1000xi32, #tpu.memory_space<hbm>>
      %dma_wait3A_80 = tpu.memref_squeeze %dma_wait3A_79 : memref<1x1000xi32, #tpu.memory_space<hbm>> -> memref<1000xi32, #tpu.memory_space<hbm>>
      tpu.wait_dma2 semaphore(%run_scoped3A_72 : memref<!tpu.dma_semaphore, #tpu.memory_space<semaphore_mem>>) src(%dma_wait3A_80 : memref<1000xi32, #tpu.memory_space<hbm>>) dst(%arg12 : memref<1000xi32, #tpu.memory_space<vmem>>)
      tpu.yield
    }) : () -> ()
    %add3A_8 = arith.constant 1000 : i32
    %add3A_9 = arith.addi %mul3A_2, %add3A_8 : i32
    %run_scoped3A_10 = arith.constant 0 : i32
    "tpu.region"() ({
      %run_scoped3A_72 = tpu.sem_alloc : memref<!tpu.dma_semaphore, #tpu.memory_space<semaphore_mem>>
      %dma_start3A_73 = tpu.memref_slice %arg3[%run_scoped3A_10, %add3A_9] : memref<2x160000xi32, #tpu.memory_space<hbm>> -> memref<1x1000xi32, #tpu.memory_space<hbm>>
      %dma_start3A_74 = tpu.memref_squeeze %dma_start3A_73 : memref<1x1000xi32, #tpu.memory_space<hbm>> -> memref<1000xi32, #tpu.memory_space<hbm>>
      %dma_start3A_75 = tpu.memref_slice %arg3[%run_scoped3A_10, %add3A_9] : memref<2x160000xi32, #tpu.memory_space<hbm>> -> memref<1x1000xi32, #tpu.memory_space<hbm>>
      %dma_start3A_76 = tpu.memref_squeeze %dma_start3A_75 : memref<1x1000xi32, #tpu.memory_space<hbm>> -> memref<1000xi32, #tpu.memory_space<hbm>>
      tpu.enqueue_dma source(%dma_start3A_76 : memref<1000xi32, #tpu.memory_space<hbm>>) target(%arg8 : memref<1000xi32, #tpu.memory_space<vmem>>) target_semaphore(%run_scoped3A_72 : memref<!tpu.dma_semaphore, #tpu.memory_space<semaphore_mem>>)
      %dma_wait3A_77 = tpu.memref_slice %arg3[%run_scoped3A_10, %add3A_9] : memref<2x160000xi32, #tpu.memory_space<hbm>> -> memref<1x1000xi32, #tpu.memory_space<hbm>>
      %dma_wait3A_78 = tpu.memref_squeeze %dma_wait3A_77 : memref<1x1000xi32, #tpu.memory_space<hbm>> -> memref<1000xi32, #tpu.memory_space<hbm>>
      %dma_wait3A_79 = tpu.memref_slice %arg3[%run_scoped3A_10, %add3A_9] : memref<2x160000xi32, #tpu.memory_space<hbm>> -> memref<1x1000xi32, #tpu.memory_space<hbm>>
      %dma_wait3A_80 = tpu.memref_squeeze %dma_wait3A_79 : memref<1x1000xi32, #tpu.memory_space<hbm>> -> memref<1000xi32, #tpu.memory_space<hbm>>
      tpu.wait_dma2 semaphore(%run_scoped3A_72 : memref<!tpu.dma_semaphore, #tpu.memory_space<semaphore_mem>>) src(%dma_wait3A_80 : memref<1000xi32, #tpu.memory_space<hbm>>) dst(%arg8 : memref<1000xi32, #tpu.memory_space<vmem>>)
      tpu.yield
    }) : () -> ()
    %add3A_11 = arith.constant 1000 : i32
    %add3A_12 = arith.addi %mul3A_2, %add3A_11 : i32
    %run_scoped3A_13 = arith.constant 1 : i32
    "tpu.region"() ({
      %run_scoped3A_72 = tpu.sem_alloc : memref<!tpu.dma_semaphore, #tpu.memory_space<semaphore_mem>>
      %dma_start3A_73 = tpu.memref_slice %arg3[%run_scoped3A_13, %add3A_12] : memref<2x160000xi32, #tpu.memory_space<hbm>> -> memref<1x1000xi32, #tpu.memory_space<hbm>>
      %dma_start3A_74 = tpu.memref_squeeze %dma_start3A_73 : memref<1x1000xi32, #tpu.memory_space<hbm>> -> memref<1000xi32, #tpu.memory_space<hbm>>
      %dma_start3A_75 = tpu.memref_slice %arg3[%run_scoped3A_13, %add3A_12] : memref<2x160000xi32, #tpu.memory_space<hbm>> -> memref<1x1000xi32, #tpu.memory_space<hbm>>
      %dma_start3A_76 = tpu.memref_squeeze %dma_start3A_75 : memref<1x1000xi32, #tpu.memory_space<hbm>> -> memref<1000xi32, #tpu.memory_space<hbm>>
      tpu.enqueue_dma source(%dma_start3A_76 : memref<1000xi32, #tpu.memory_space<hbm>>) target(%arg13 : memref<1000xi32, #tpu.memory_space<vmem>>) target_semaphore(%run_scoped3A_72 : memref<!tpu.dma_semaphore, #tpu.memory_space<semaphore_mem>>)
      %dma_wait3A_77 = tpu.memref_slice %arg3[%run_scoped3A_13, %add3A_12] : memref<2x160000xi32, #tpu.memory_space<hbm>> -> memref<1x1000xi32, #tpu.memory_space<hbm>>
      %dma_wait3A_78 = tpu.memref_squeeze %dma_wait3A_77 : memref<1x1000xi32, #tpu.memory_space<hbm>> -> memref<1000xi32, #tpu.memory_space<hbm>>
      %dma_wait3A_79 = tpu.memref_slice %arg3[%run_scoped3A_13, %add3A_12] : memref<2x160000xi32, #tpu.memory_space<hbm>> -> memref<1x1000xi32, #tpu.memory_space<hbm>>
      %dma_wait3A_80 = tpu.memref_squeeze %dma_wait3A_79 : memref<1x1000xi32, #tpu.memory_space<hbm>> -> memref<1000xi32, #tpu.memory_space<hbm>>
      tpu.wait_dma2 semaphore(%run_scoped3A_72 : memref<!tpu.dma_semaphore, #tpu.memory_space<semaphore_mem>>) src(%dma_wait3A_80 : memref<1000xi32, #tpu.memory_space<hbm>>) dst(%arg13 : memref<1000xi32, #tpu.memory_space<vmem>>)
      tpu.yield
    }) : () -> ()
    %add3A_14 = arith.constant 2000 : i32
    %add3A_15 = arith.addi %mul3A_2, %add3A_14 : i32
    %run_scoped3A_16 = arith.constant 0 : i32
    "tpu.region"() ({
      %run_scoped3A_72 = tpu.sem_alloc : memref<!tpu.dma_semaphore, #tpu.memory_space<semaphore_mem>>
      %dma_start3A_73 = tpu.memref_slice %arg3[%run_scoped3A_16, %add3A_15] : memref<2x160000xi32, #tpu.memory_space<hbm>> -> memref<1x1000xi32, #tpu.memory_space<hbm>>
      %dma_start3A_74 = tpu.memref_squeeze %dma_start3A_73 : memref<1x1000xi32, #tpu.memory_space<hbm>> -> memref<1000xi32, #tpu.memory_space<hbm>>
      %dma_start3A_75 = tpu.memref_slice %arg3[%run_scoped3A_16, %add3A_15] : memref<2x160000xi32, #tpu.memory_space<hbm>> -> memref<1x1000xi32, #tpu.memory_space<hbm>>
      %dma_start3A_76 = tpu.memref_squeeze %dma_start3A_75 : memref<1x1000xi32, #tpu.memory_space<hbm>> -> memref<1000xi32, #tpu.memory_space<hbm>>
      tpu.enqueue_dma source(%dma_start3A_76 : memref<1000xi32, #tpu.memory_space<hbm>>) target(%arg9 : memref<1000xi32, #tpu.memory_space<vmem>>) target_semaphore(%run_scoped3A_72 : memref<!tpu.dma_semaphore, #tpu.memory_space<semaphore_mem>>)
      %dma_wait3A_77 = tpu.memref_slice %arg3[%run_scoped3A_16, %add3A_15] : memref<2x160000xi32, #tpu.memory_space<hbm>> -> memref<1x1000xi32, #tpu.memory_space<hbm>>
      %dma_wait3A_78 = tpu.memref_squeeze %dma_wait3A_77 : memref<1x1000xi32, #tpu.memory_space<hbm>> -> memref<1000xi32, #tpu.memory_space<hbm>>
      %dma_wait3A_79 = tpu.memref_slice %arg3[%run_scoped3A_16, %add3A_15] : memref<2x160000xi32, #tpu.memory_space<hbm>> -> memref<1x1000xi32, #tpu.memory_space<hbm>>
      %dma_wait3A_80 = tpu.memref_squeeze %dma_wait3A_79 : memref<1x1000xi32, #tpu.memory_space<hbm>> -> memref<1000xi32, #tpu.memory_space<hbm>>
      tpu.wait_dma2 semaphore(%run_scoped3A_72 : memref<!tpu.dma_semaphore, #tpu.memory_space<semaphore_mem>>) src(%dma_wait3A_80 : memref<1000xi32, #tpu.memory_space<hbm>>) dst(%arg9 : memref<1000xi32, #tpu.memory_space<vmem>>)
      tpu.yield
    }) : () -> ()
    %add3A_17 = arith.constant 2000 : i32
    %add3A_18 = arith.addi %mul3A_2, %add3A_17 : i32
    %run_scoped3A_19 = arith.constant 1 : i32
    "tpu.region"() ({
      %run_scoped3A_72 = tpu.sem_alloc : memref<!tpu.dma_semaphore, #tpu.memory_space<semaphore_mem>>
      %dma_start3A_73 = tpu.memref_slice %arg3[%run_scoped3A_19, %add3A_18] : memref<2x160000xi32, #tpu.memory_space<hbm>> -> memref<1x1000xi32, #tpu.memory_space<hbm>>
      %dma_start3A_74 = tpu.memref_squeeze %dma_start3A_73 : memref<1x1000xi32, #tpu.memory_space<hbm>> -> memref<1000xi32, #tpu.memory_space<hbm>>
      %dma_start3A_75 = tpu.memref_slice %arg3[%run_scoped3A_19, %add3A_18] : memref<2x160000xi32, #tpu.memory_space<hbm>> -> memref<1x1000xi32, #tpu.memory_space<hbm>>
      %dma_start3A_76 = tpu.memref_squeeze %dma_start3A_75 : memref<1x1000xi32, #tpu.memory_space<hbm>> -> memref<1000xi32, #tpu.memory_space<hbm>>
      tpu.enqueue_dma source(%dma_start3A_76 : memref<1000xi32, #tpu.memory_space<hbm>>) target(%arg14 : memref<1000xi32, #tpu.memory_space<vmem>>) target_semaphore(%run_scoped3A_72 : memref<!tpu.dma_semaphore, #tpu.memory_space<semaphore_mem>>)
      %dma_wait3A_77 = tpu.memref_slice %arg3[%run_scoped3A_19, %add3A_18] : memref<2x160000xi32, #tpu.memory_space<hbm>> -> memref<1x1000xi32, #tpu.memory_space<hbm>>
      %dma_wait3A_78 = tpu.memref_squeeze %dma_wait3A_77 : memref<1x1000xi32, #tpu.memory_space<hbm>> -> memref<1000xi32, #tpu.memory_space<hbm>>
      %dma_wait3A_79 = tpu.memref_slice %arg3[%run_scoped3A_19, %add3A_18] : memref<2x160000xi32, #tpu.memory_space<hbm>> -> memref<1x1000xi32, #tpu.memory_space<hbm>>
      %dma_wait3A_80 = tpu.memref_squeeze %dma_wait3A_79 : memref<1x1000xi32, #tpu.memory_space<hbm>> -> memref<1000xi32, #tpu.memory_space<hbm>>
      tpu.wait_dma2 semaphore(%run_scoped3A_72 : memref<!tpu.dma_semaphore, #tpu.memory_space<semaphore_mem>>) src(%dma_wait3A_80 : memref<1000xi32, #tpu.memory_space<hbm>>) dst(%arg14 : memref<1000xi32, #tpu.memory_space<vmem>>)
      tpu.yield
    }) : () -> ()
    %add3A_20 = arith.constant 3000 : i32
    %add3A_21 = arith.addi %mul3A_2, %add3A_20 : i32
    %run_scoped3A_22 = arith.constant 0 : i32
    "tpu.region"() ({
      %run_scoped3A_72 = tpu.sem_alloc : memref<!tpu.dma_semaphore, #tpu.memory_space<semaphore_mem>>
      %dma_start3A_73 = tpu.memref_slice %arg3[%run_scoped3A_22, %add3A_21] : memref<2x160000xi32, #tpu.memory_space<hbm>> -> memref<1x1000xi32, #tpu.memory_space<hbm>>
      %dma_start3A_74 = tpu.memref_squeeze %dma_start3A_73 : memref<1x1000xi32, #tpu.memory_space<hbm>> -> memref<1000xi32, #tpu.memory_space<hbm>>
      %dma_start3A_75 = tpu.memref_slice %arg3[%run_scoped3A_22, %add3A_21] : memref<2x160000xi32, #tpu.memory_space<hbm>> -> memref<1x1000xi32, #tpu.memory_space<hbm>>
      %dma_start3A_76 = tpu.memref_squeeze %dma_start3A_75 : memref<1x1000xi32, #tpu.memory_space<hbm>> -> memref<1000xi32, #tpu.memory_space<hbm>>
      tpu.enqueue_dma source(%dma_start3A_76 : memref<1000xi32, #tpu.memory_space<hbm>>) target(%arg10 : memref<1000xi32, #tpu.memory_space<vmem>>) target_semaphore(%run_scoped3A_72 : memref<!tpu.dma_semaphore, #tpu.memory_space<semaphore_mem>>)
      %dma_wait3A_77 = tpu.memref_slice %arg3[%run_scoped3A_22, %add3A_21] : memref<2x160000xi32, #tpu.memory_space<hbm>> -> memref<1x1000xi32, #tpu.memory_space<hbm>>
      %dma_wait3A_78 = tpu.memref_squeeze %dma_wait3A_77 : memref<1x1000xi32, #tpu.memory_space<hbm>> -> memref<1000xi32, #tpu.memory_space<hbm>>
      %dma_wait3A_79 = tpu.memref_slice %arg3[%run_scoped3A_22, %add3A_21] : memref<2x160000xi32, #tpu.memory_space<hbm>> -> memref<1x1000xi32, #tpu.memory_space<hbm>>
      %dma_wait3A_80 = tpu.memref_squeeze %dma_wait3A_79 : memref<1x1000xi32, #tpu.memory_space<hbm>> -> memref<1000xi32, #tpu.memory_space<hbm>>
      tpu.wait_dma2 semaphore(%run_scoped3A_72 : memref<!tpu.dma_semaphore, #tpu.memory_space<semaphore_mem>>) src(%dma_wait3A_80 : memref<1000xi32, #tpu.memory_space<hbm>>) dst(%arg10 : memref<1000xi32, #tpu.memory_space<vmem>>)
      tpu.yield
    }) : () -> ()
    %add3A_23 = arith.constant 3000 : i32
    %add3A_24 = arith.addi %mul3A_2, %add3A_23 : i32
    %run_scoped3A_25 = arith.constant 1 : i32
    "tpu.region"() ({
      %run_scoped3A_72 = tpu.sem_alloc : memref<!tpu.dma_semaphore, #tpu.memory_space<semaphore_mem>>
      %dma_start3A_73 = tpu.memref_slice %arg3[%run_scoped3A_25, %add3A_24] : memref<2x160000xi32, #tpu.memory_space<hbm>> -> memref<1x1000xi32, #tpu.memory_space<hbm>>
      %dma_start3A_74 = tpu.memref_squeeze %dma_start3A_73 : memref<1x1000xi32, #tpu.memory_space<hbm>> -> memref<1000xi32, #tpu.memory_space<hbm>>
      %dma_start3A_75 = tpu.memref_slice %arg3[%run_scoped3A_25, %add3A_24] : memref<2x160000xi32, #tpu.memory_space<hbm>> -> memref<1x1000xi32, #tpu.memory_space<hbm>>
      %dma_start3A_76 = tpu.memref_squeeze %dma_start3A_75 : memref<1x1000xi32, #tpu.memory_space<hbm>> -> memref<1000xi32, #tpu.memory_space<hbm>>
      tpu.enqueue_dma source(%dma_start3A_76 : memref<1000xi32, #tpu.memory_space<hbm>>) target(%arg15 : memref<1000xi32, #tpu.memory_space<vmem>>) target_semaphore(%run_scoped3A_72 : memref<!tpu.dma_semaphore, #tpu.memory_space<semaphore_mem>>)
      %dma_wait3A_77 = tpu.memref_slice %arg3[%run_scoped3A_25, %add3A_24] : memref<2x160000xi32, #tpu.memory_space<hbm>> -> memref<1x1000xi32, #tpu.memory_space<hbm>>
      %dma_wait3A_78 = tpu.memref_squeeze %dma_wait3A_77 : memref<1x1000xi32, #tpu.memory_space<hbm>> -> memref<1000xi32, #tpu.memory_space<hbm>>
      %dma_wait3A_79 = tpu.memref_slice %arg3[%run_scoped3A_25, %add3A_24] : memref<2x160000xi32, #tpu.memory_space<hbm>> -> memref<1x1000xi32, #tpu.memory_space<hbm>>
      %dma_wait3A_80 = tpu.memref_squeeze %dma_wait3A_79 : memref<1x1000xi32, #tpu.memory_space<hbm>> -> memref<1000xi32, #tpu.memory_space<hbm>>
      tpu.wait_dma2 semaphore(%run_scoped3A_72 : memref<!tpu.dma_semaphore, #tpu.memory_space<semaphore_mem>>) src(%dma_wait3A_80 : memref<1000xi32, #tpu.memory_space<hbm>>) dst(%arg15 : memref<1000xi32, #tpu.memory_space<vmem>>)
      tpu.yield
    }) : () -> ()
    %add3A_26 = arith.constant 4000 : i32
    %add3A_27 = arith.addi %mul3A_2, %add3A_26 : i32
    %run_scoped3A_28 = arith.constant 0 : i32
    "tpu.region"() ({
      %run_scoped3A_72 = tpu.sem_alloc : memref<!tpu.dma_semaphore, #tpu.memory_space<semaphore_mem>>
      %dma_start3A_73 = tpu.memref_slice %arg3[%run_scoped3A_28, %add3A_27] : memref<2x160000xi32, #tpu.memory_space<hbm>> -> memref<1x1000xi32, #tpu.memory_space<hbm>>
      %dma_start3A_74 = tpu.memref_squeeze %dma_start3A_73 : memref<1x1000xi32, #tpu.memory_space<hbm>> -> memref<1000xi32, #tpu.memory_space<hbm>>
      %dma_start3A_75 = tpu.memref_slice %arg3[%run_scoped3A_28, %add3A_27] : memref<2x160000xi32, #tpu.memory_space<hbm>> -> memref<1x1000xi32, #tpu.memory_space<hbm>>
      %dma_start3A_76 = tpu.memref_squeeze %dma_start3A_75 : memref<1x1000xi32, #tpu.memory_space<hbm>> -> memref<1000xi32, #tpu.memory_space<hbm>>
      tpu.enqueue_dma source(%dma_start3A_76 : memref<1000xi32, #tpu.memory_space<hbm>>) target(%arg11 : memref<1000xi32, #tpu.memory_space<vmem>>) target_semaphore(%run_scoped3A_72 : memref<!tpu.dma_semaphore, #tpu.memory_space<semaphore_mem>>)
      %dma_wait3A_77 = tpu.memref_slice %arg3[%run_scoped3A_28, %add3A_27] : memref<2x160000xi32, #tpu.memory_space<hbm>> -> memref<1x1000xi32, #tpu.memory_space<hbm>>
      %dma_wait3A_78 = tpu.memref_squeeze %dma_wait3A_77 : memref<1x1000xi32, #tpu.memory_space<hbm>> -> memref<1000xi32, #tpu.memory_space<hbm>>
      %dma_wait3A_79 = tpu.memref_slice %arg3[%run_scoped3A_28, %add3A_27] : memref<2x160000xi32, #tpu.memory_space<hbm>> -> memref<1x1000xi32, #tpu.memory_space<hbm>>
      %dma_wait3A_80 = tpu.memref_squeeze %dma_wait3A_79 : memref<1x1000xi32, #tpu.memory_space<hbm>> -> memref<1000xi32, #tpu.memory_space<hbm>>
      tpu.wait_dma2 semaphore(%run_scoped3A_72 : memref<!tpu.dma_semaphore, #tpu.memory_space<semaphore_mem>>) src(%dma_wait3A_80 : memref<1000xi32, #tpu.memory_space<hbm>>) dst(%arg11 : memref<1000xi32, #tpu.memory_space<vmem>>)
      tpu.yield
    }) : () -> ()
    %add3A_29 = arith.constant 4000 : i32
    %add3A_30 = arith.addi %mul3A_2, %add3A_29 : i32
    %run_scoped3A_31 = arith.constant 1 : i32
    "tpu.region"() ({
      %run_scoped3A_72 = tpu.sem_alloc : memref<!tpu.dma_semaphore, #tpu.memory_space<semaphore_mem>>
      %dma_start3A_73 = tpu.memref_slice %arg3[%run_scoped3A_31, %add3A_30] : memref<2x160000xi32, #tpu.memory_space<hbm>> -> memref<1x1000xi32, #tpu.memory_space<hbm>>
      %dma_start3A_74 = tpu.memref_squeeze %dma_start3A_73 : memref<1x1000xi32, #tpu.memory_space<hbm>> -> memref<1000xi32, #tpu.memory_space<hbm>>
      %dma_start3A_75 = tpu.memref_slice %arg3[%run_scoped3A_31, %add3A_30] : memref<2x160000xi32, #tpu.memory_space<hbm>> -> memref<1x1000xi32, #tpu.memory_space<hbm>>
      %dma_start3A_76 = tpu.memref_squeeze %dma_start3A_75 : memref<1x1000xi32, #tpu.memory_space<hbm>> -> memref<1000xi32, #tpu.memory_space<hbm>>
      tpu.enqueue_dma source(%dma_start3A_76 : memref<1000xi32, #tpu.memory_space<hbm>>) target(%arg16 : memref<1000xi32, #tpu.memory_space<vmem>>) target_semaphore(%run_scoped3A_72 : memref<!tpu.dma_semaphore, #tpu.memory_space<semaphore_mem>>)
      %dma_wait3A_77 = tpu.memref_slice %arg3[%run_scoped3A_31, %add3A_30] : memref<2x160000xi32, #tpu.memory_space<hbm>> -> memref<1x1000xi32, #tpu.memory_space<hbm>>
      %dma_wait3A_78 = tpu.memref_squeeze %dma_wait3A_77 : memref<1x1000xi32, #tpu.memory_space<hbm>> -> memref<1000xi32, #tpu.memory_space<hbm>>
      %dma_wait3A_79 = tpu.memref_slice %arg3[%run_scoped3A_31, %add3A_30] : memref<2x160000xi32, #tpu.memory_space<hbm>> -> memref<1x1000xi32, #tpu.memory_space<hbm>>
      %dma_wait3A_80 = tpu.memref_squeeze %dma_wait3A_79 : memref<1x1000xi32, #tpu.memory_space<hbm>> -> memref<1000xi32, #tpu.memory_space<hbm>>
      tpu.wait_dma2 semaphore(%run_scoped3A_72 : memref<!tpu.dma_semaphore, #tpu.memory_space<semaphore_mem>>) src(%dma_wait3A_80 : memref<1000xi32, #tpu.memory_space<hbm>>) dst(%arg16 : memref<1000xi32, #tpu.memory_space<vmem>>)
      tpu.yield
    }) : () -> ()
    %mul3A_32 = arith.constant 640 : i32
    %mul3A_33 = arith.muli %arg1, %mul3A_32 : i32
    "tpu.region"() ({
      %run_scoped3A_72 = tpu.sem_alloc : memref<!tpu.dma_semaphore, #tpu.memory_space<semaphore_mem>>
      %dma_start3A_73 = arith.constant 0 : i32
      %dma_start3A_74 = tpu.memref_slice %arg19[%mul3A_33, %dma_start3A_73] : memref<10240x16xf32, #tpu.memory_space<vmem_shared>> -> memref<640x16xf32, #tpu.memory_space<vmem_shared>>
      tpu.enqueue_dma source(%arg4 : memref<640x16xf32, #tpu.memory_space<hbm>>) target(%dma_start3A_74 : memref<640x16xf32, #tpu.memory_space<vmem_shared>>) target_semaphore(%run_scoped3A_72 : memref<!tpu.dma_semaphore, #tpu.memory_space<semaphore_mem>>)
      %dma_wait3A_75 = arith.constant 0 : i32
      %dma_wait3A_76 = tpu.memref_slice %arg19[%mul3A_33, %dma_wait3A_75] : memref<10240x16xf32, #tpu.memory_space<vmem_shared>> -> memref<640x16xf32, #tpu.memory_space<vmem_shared>>
      tpu.wait_dma2 semaphore(%run_scoped3A_72 : memref<!tpu.dma_semaphore, #tpu.memory_space<semaphore_mem>>) src(%arg4 : memref<640x16xf32, #tpu.memory_space<hbm>>) dst(%dma_wait3A_76 : memref<640x16xf32, #tpu.memory_space<vmem_shared>>)
      tpu.yield
    }) : () -> ()
    %barrier3A = arith.constant 0 : index
    tpu.barrier barrier_id(%barrier3A)
    %dma_start3A = arith.constant 0 : i32
    %dma_start3A_34 = arith.constant 0 : i32
    %dma_start3A_35 = tpu.memref_slice %arg2[%dma_start3A, %dma_start3A_34] : memref<10240x16xf32, #tpu.memory_space<hbm>> -> memref<10240x16xf32, #tpu.memory_space<hbm>>
    tpu.enqueue_indirect_dma source(%dma_start3A_35 : memref<10240x16xf32, #tpu.memory_space<hbm>>) target(%arg17 : memref<1000x16xf32, #tpu.memory_space<vmem>>) offsets(%arg7 : memref<1000xi32, #tpu.memory_space<vmem>>) semaphore(%arg20 : memref<!tpu.dma_semaphore, #tpu.memory_space<semaphore_mem>>)
    %dma_start3A_36 = arith.constant 0 : i32
    %dma_start3A_37 = arith.constant 0 : i32
    %dma_start3A_38 = tpu.memref_slice %arg2[%dma_start3A_36, %dma_start3A_37] : memref<10240x16xf32, #tpu.memory_space<hbm>> -> memref<10240x16xf32, #tpu.memory_space<hbm>>
    tpu.enqueue_indirect_dma source(%dma_start3A_38 : memref<10240x16xf32, #tpu.memory_space<hbm>>) target(%arg18 : memref<1000x16xf32, #tpu.memory_space<vmem>>) offsets(%arg8 : memref<1000xi32, #tpu.memory_space<vmem>>) semaphore(%arg21 : memref<!tpu.dma_semaphore, #tpu.memory_space<semaphore_mem>>)
    %dma_wait3A = arith.constant 0 : i32
    %dma_wait3A_39 = arith.constant 0 : i32
    %dma_wait3A_40 = tpu.memref_slice %arg2[%dma_wait3A, %dma_wait3A_39] : memref<10240x16xf32, #tpu.memory_space<hbm>> -> memref<10240x16xf32, #tpu.memory_space<hbm>>
    tpu.wait_indirect_dma semaphore(%arg20 : memref<!tpu.dma_semaphore, #tpu.memory_space<semaphore_mem>>) src(%dma_wait3A_40 : memref<10240x16xf32, #tpu.memory_space<hbm>>) dst(%arg17 : memref<1000x16xf32, #tpu.memory_space<vmem>>)
    "tpu.region"() ({
      %run_scoped3A_72 = tpu.sem_alloc : memref<!tpu.dma_semaphore, #tpu.memory_space<semaphore_mem>>
      %dma_start3A_73 = arith.constant 0 : i32
      %dma_start3A_74 = arith.constant 0 : i32
      %dma_start3A_75 = tpu.memref_slice %arg19[%dma_start3A_73, %dma_start3A_74] : memref<10240x16xf32, #tpu.memory_space<vmem_shared>> -> memref<10240x16xf32, #tpu.memory_space<vmem_shared>>
      tpu.enqueue_indirect_dma source(%arg17 : memref<1000x16xf32, #tpu.memory_space<vmem>>) target(%dma_start3A_75 : memref<10240x16xf32, #tpu.memory_space<vmem_shared>>) offsets(%arg12 : memref<1000xi32, #tpu.memory_space<vmem>>) semaphore(%run_scoped3A_72 : memref<!tpu.dma_semaphore, #tpu.memory_space<semaphore_mem>>) {add = true}
      %dma_wait3A_76 = arith.constant 0 : i32
      %dma_wait3A_77 = arith.constant 0 : i32
      %dma_wait3A_78 = tpu.memref_slice %arg19[%dma_wait3A_76, %dma_wait3A_77] : memref<10240x16xf32, #tpu.memory_space<vmem_shared>> -> memref<10240x16xf32, #tpu.memory_space<vmem_shared>>
      tpu.wait_indirect_dma semaphore(%run_scoped3A_72 : memref<!tpu.dma_semaphore, #tpu.memory_space<semaphore_mem>>) src(%arg17 : memref<1000x16xf32, #tpu.memory_space<vmem>>) dst(%dma_wait3A_78 : memref<10240x16xf32, #tpu.memory_space<vmem_shared>>)
      tpu.yield
    }) : () -> ()
    %dma_start3A_41 = arith.constant 0 : i32
    %dma_start3A_42 = arith.constant 0 : i32
    %dma_start3A_43 = tpu.memref_slice %arg2[%dma_start3A_41, %dma_start3A_42] : memref<10240x16xf32, #tpu.memory_space<hbm>> -> memref<10240x16xf32, #tpu.memory_space<hbm>>
    tpu.enqueue_indirect_dma source(%dma_start3A_43 : memref<10240x16xf32, #tpu.memory_space<hbm>>) target(%arg17 : memref<1000x16xf32, #tpu.memory_space<vmem>>) offsets(%arg9 : memref<1000xi32, #tpu.memory_space<vmem>>) semaphore(%arg20 : memref<!tpu.dma_semaphore, #tpu.memory_space<semaphore_mem>>)
    %dma_wait3A_44 = arith.constant 0 : i32
    %dma_wait3A_45 = arith.constant 0 : i32
    %dma_wait3A_46 = tpu.memref_slice %arg2[%dma_wait3A_44, %dma_wait3A_45] : memref<10240x16xf32, #tpu.memory_space<hbm>> -> memref<10240x16xf32, #tpu.memory_space<hbm>>
    tpu.wait_indirect_dma semaphore(%arg21 : memref<!tpu.dma_semaphore, #tpu.memory_space<semaphore_mem>>) src(%dma_wait3A_46 : memref<10240x16xf32, #tpu.memory_space<hbm>>) dst(%arg18 : memref<1000x16xf32, #tpu.memory_space<vmem>>)
    "tpu.region"() ({
      %run_scoped3A_72 = tpu.sem_alloc : memref<!tpu.dma_semaphore, #tpu.memory_space<semaphore_mem>>
      %dma_start3A_73 = arith.constant 0 : i32
      %dma_start3A_74 = arith.constant 0 : i32
      %dma_start3A_75 = tpu.memref_slice %arg19[%dma_start3A_73, %dma_start3A_74] : memref<10240x16xf32, #tpu.memory_space<vmem_shared>> -> memref<10240x16xf32, #tpu.memory_space<vmem_shared>>
      tpu.enqueue_indirect_dma source(%arg18 : memref<1000x16xf32, #tpu.memory_space<vmem>>) target(%dma_start3A_75 : memref<10240x16xf32, #tpu.memory_space<vmem_shared>>) offsets(%arg13 : memref<1000xi32, #tpu.memory_space<vmem>>) semaphore(%run_scoped3A_72 : memref<!tpu.dma_semaphore, #tpu.memory_space<semaphore_mem>>) {add = true}
      %dma_wait3A_76 = arith.constant 0 : i32
      %dma_wait3A_77 = arith.constant 0 : i32
      %dma_wait3A_78 = tpu.memref_slice %arg19[%dma_wait3A_76, %dma_wait3A_77] : memref<10240x16xf32, #tpu.memory_space<vmem_shared>> -> memref<10240x16xf32, #tpu.memory_space<vmem_shared>>
      tpu.wait_indirect_dma semaphore(%run_scoped3A_72 : memref<!tpu.dma_semaphore, #tpu.memory_space<semaphore_mem>>) src(%arg18 : memref<1000x16xf32, #tpu.memory_space<vmem>>) dst(%dma_wait3A_78 : memref<10240x16xf32, #tpu.memory_space<vmem_shared>>)
      tpu.yield
    }) : () -> ()
    %dma_start3A_47 = arith.constant 0 : i32
    %dma_start3A_48 = arith.constant 0 : i32
    %dma_start3A_49 = tpu.memref_slice %arg2[%dma_start3A_47, %dma_start3A_48] : memref<10240x16xf32, #tpu.memory_space<hbm>> -> memref<10240x16xf32, #tpu.memory_space<hbm>>
    tpu.enqueue_indirect_dma source(%dma_start3A_49 : memref<10240x16xf32, #tpu.memory_space<hbm>>) target(%arg18 : memref<1000x16xf32, #tpu.memory_space<vmem>>) offsets(%arg10 : memref<1000xi32, #tpu.memory_space<vmem>>) semaphore(%arg21 : memref<!tpu.dma_semaphore, #tpu.memory_space<semaphore_mem>>)
    %dma_wait3A_50 = arith.constant 0 : i32
    %dma_wait3A_51 = arith.constant 0 : i32
    %dma_wait3A_52 = tpu.memref_slice %arg2[%dma_wait3A_50, %dma_wait3A_51] : memref<10240x16xf32, #tpu.memory_space<hbm>> -> memref<10240x16xf32, #tpu.memory_space<hbm>>
    tpu.wait_indirect_dma semaphore(%arg20 : memref<!tpu.dma_semaphore, #tpu.memory_space<semaphore_mem>>) src(%dma_wait3A_52 : memref<10240x16xf32, #tpu.memory_space<hbm>>) dst(%arg17 : memref<1000x16xf32, #tpu.memory_space<vmem>>)
    "tpu.region"() ({
      %run_scoped3A_72 = tpu.sem_alloc : memref<!tpu.dma_semaphore, #tpu.memory_space<semaphore_mem>>
      %dma_start3A_73 = arith.constant 0 : i32
      %dma_start3A_74 = arith.constant 0 : i32
      %dma_start3A_75 = tpu.memref_slice %arg19[%dma_start3A_73, %dma_start3A_74] : memref<10240x16xf32, #tpu.memory_space<vmem_shared>> -> memref<10240x16xf32, #tpu.memory_space<vmem_shared>>
      tpu.enqueue_indirect_dma source(%arg17 : memref<1000x16xf32, #tpu.memory_space<vmem>>) target(%dma_start3A_75 : memref<10240x16xf32, #tpu.memory_space<vmem_shared>>) offsets(%arg14 : memref<1000xi32, #tpu.memory_space<vmem>>) semaphore(%run_scoped3A_72 : memref<!tpu.dma_semaphore, #tpu.memory_space<semaphore_mem>>) {add = true}
      %dma_wait3A_76 = arith.constant 0 : i32
      %dma_wait3A_77 = arith.constant 0 : i32
      %dma_wait3A_78 = tpu.memref_slice %arg19[%dma_wait3A_76, %dma_wait3A_77] : memref<10240x16xf32, #tpu.memory_space<vmem_shared>> -> memref<10240x16xf32, #tpu.memory_space<vmem_shared>>
      tpu.wait_indirect_dma semaphore(%run_scoped3A_72 : memref<!tpu.dma_semaphore, #tpu.memory_space<semaphore_mem>>) src(%arg17 : memref<1000x16xf32, #tpu.memory_space<vmem>>) dst(%dma_wait3A_78 : memref<10240x16xf32, #tpu.memory_space<vmem_shared>>)
      tpu.yield
    }) : () -> ()
    %dma_start3A_53 = arith.constant 0 : i32
    %dma_start3A_54 = arith.constant 0 : i32
    %dma_start3A_55 = tpu.memref_slice %arg2[%dma_start3A_53, %dma_start3A_54] : memref<10240x16xf32, #tpu.memory_space<hbm>> -> memref<10240x16xf32, #tpu.memory_space<hbm>>
    tpu.enqueue_indirect_dma source(%dma_start3A_55 : memref<10240x16xf32, #tpu.memory_space<hbm>>) target(%arg17 : memref<1000x16xf32, #tpu.memory_space<vmem>>) offsets(%arg11 : memref<1000xi32, #tpu.memory_space<vmem>>) semaphore(%arg20 : memref<!tpu.dma_semaphore, #tpu.memory_space<semaphore_mem>>)
    %dma_wait3A_56 = arith.constant 0 : i32
    %dma_wait3A_57 = arith.constant 0 : i32
    %dma_wait3A_58 = tpu.memref_slice %arg2[%dma_wait3A_56, %dma_wait3A_57] : memref<10240x16xf32, #tpu.memory_space<hbm>> -> memref<10240x16xf32, #tpu.memory_space<hbm>>
    tpu.wait_indirect_dma semaphore(%arg21 : memref<!tpu.dma_semaphore, #tpu.memory_space<semaphore_mem>>) src(%dma_wait3A_58 : memref<10240x16xf32, #tpu.memory_space<hbm>>) dst(%arg18 : memref<1000x16xf32, #tpu.memory_space<vmem>>)
    "tpu.region"() ({
      %run_scoped3A_72 = tpu.sem_alloc : memref<!tpu.dma_semaphore, #tpu.memory_space<semaphore_mem>>
      %dma_start3A_73 = arith.constant 0 : i32
      %dma_start3A_74 = arith.constant 0 : i32
      %dma_start3A_75 = tpu.memref_slice %arg19[%dma_start3A_73, %dma_start3A_74] : memref<10240x16xf32, #tpu.memory_space<vmem_shared>> -> memref<10240x16xf32, #tpu.memory_space<vmem_shared>>
      tpu.enqueue_indirect_dma source(%arg18 : memref<1000x16xf32, #tpu.memory_space<vmem>>) target(%dma_start3A_75 : memref<10240x16xf32, #tpu.memory_space<vmem_shared>>) offsets(%arg15 : memref<1000xi32, #tpu.memory_space<vmem>>) semaphore(%run_scoped3A_72 : memref<!tpu.dma_semaphore, #tpu.memory_space<semaphore_mem>>) {add = true}
      %dma_wait3A_76 = arith.constant 0 : i32
      %dma_wait3A_77 = arith.constant 0 : i32
      %dma_wait3A_78 = tpu.memref_slice %arg19[%dma_wait3A_76, %dma_wait3A_77] : memref<10240x16xf32, #tpu.memory_space<vmem_shared>> -> memref<10240x16xf32, #tpu.memory_space<vmem_shared>>
      tpu.wait_indirect_dma semaphore(%run_scoped3A_72 : memref<!tpu.dma_semaphore, #tpu.memory_space<semaphore_mem>>) src(%arg18 : memref<1000x16xf32, #tpu.memory_space<vmem>>) dst(%dma_wait3A_78 : memref<10240x16xf32, #tpu.memory_space<vmem_shared>>)
      tpu.yield
    }) : () -> ()
    %dma_wait3A_59 = arith.constant 0 : i32
    %dma_wait3A_60 = arith.constant 0 : i32
    %dma_wait3A_61 = tpu.memref_slice %arg2[%dma_wait3A_59, %dma_wait3A_60] : memref<10240x16xf32, #tpu.memory_space<hbm>> -> memref<10240x16xf32, #tpu.memory_space<hbm>>
    tpu.wait_indirect_dma semaphore(%arg20 : memref<!tpu.dma_semaphore, #tpu.memory_space<semaphore_mem>>) src(%dma_wait3A_61 : memref<10240x16xf32, #tpu.memory_space<hbm>>) dst(%arg17 : memref<1000x16xf32, #tpu.memory_space<vmem>>)
    "tpu.region"() ({
      %run_scoped3A_72 = tpu.sem_alloc : memref<!tpu.dma_semaphore, #tpu.memory_space<semaphore_mem>>
      %dma_start3A_73 = arith.constant 0 : i32
      %dma_start3A_74 = arith.constant 0 : i32
      %dma_start3A_75 = tpu.memref_slice %arg19[%dma_start3A_73, %dma_start3A_74] : memref<10240x16xf32, #tpu.memory_space<vmem_shared>> -> memref<10240x16xf32, #tpu.memory_space<vmem_shared>>
      tpu.enqueue_indirect_dma source(%arg17 : memref<1000x16xf32, #tpu.memory_space<vmem>>) target(%dma_start3A_75 : memref<10240x16xf32, #tpu.memory_space<vmem_shared>>) offsets(%arg16 : memref<1000xi32, #tpu.memory_space<vmem>>) semaphore(%run_scoped3A_72 : memref<!tpu.dma_semaphore, #tpu.memory_space<semaphore_mem>>) {add = true}
      %dma_wait3A_76 = arith.constant 0 : i32
      %dma_wait3A_77 = arith.constant 0 : i32
      %dma_wait3A_78 = tpu.memref_slice %arg19[%dma_wait3A_76, %dma_wait3A_77] : memref<10240x16xf32, #tpu.memory_space<vmem_shared>> -> memref<10240x16xf32, #tpu.memory_space<vmem_shared>>
      tpu.wait_indirect_dma semaphore(%run_scoped3A_72 : memref<!tpu.dma_semaphore, #tpu.memory_space<semaphore_mem>>) src(%arg17 : memref<1000x16xf32, #tpu.memory_space<vmem>>) dst(%dma_wait3A_78 : memref<10240x16xf32, #tpu.memory_space<vmem_shared>>)
      tpu.yield
    }) : () -> ()
    %barrier3A_62 = arith.constant 0 : index
    tpu.barrier barrier_id(%barrier3A_62)
    %mul3A_63 = arith.constant 640 : i32
    %mul3A_64 = arith.muli %arg1, %mul3A_63 : i32
    %eq3A = arith.constant 0 : i32
    %eq3A_65 = arith.cmpi eq, %arg0, %eq3A : i32
    %convert_element_type3A = arith.extui %eq3A_65 : i1 to i32
    %cond3A = arith.constant 0 : i32
    %cond3A_66 = arith.cmpi ne, %convert_element_type3A, %cond3A : i32
    scf.if %cond3A_66 {
      %mul3A_72 = arith.constant 640 : i32
      %mul3A_73 = arith.muli %arg1, %mul3A_72 : i32
      "tpu.region"() ({
        %run_scoped3A_74 = tpu.sem_alloc : memref<!tpu.dma_semaphore, #tpu.memory_space<semaphore_mem>>
        %dma_start3A_75 = arith.constant 0 : i32
        %dma_start3A_76 = tpu.memref_slice %arg5[%mul3A_73, %dma_start3A_75] : memref<10240x16xf32, #tpu.memory_space<hbm>> -> memref<640x16xf32, #tpu.memory_space<hbm>>
        %dma_start3A_77 = arith.constant 0 : i32
        %dma_start3A_78 = tpu.memref_slice %arg19[%mul3A_64, %dma_start3A_77] : memref<10240x16xf32, #tpu.memory_space<vmem_shared>> -> memref<640x16xf32, #tpu.memory_space<vmem_shared>>
        tpu.enqueue_dma source(%dma_start3A_78 : memref<640x16xf32, #tpu.memory_space<vmem_shared>>) target(%dma_start3A_76 : memref<640x16xf32, #tpu.memory_space<hbm>>) target_semaphore(%run_scoped3A_74 : memref<!tpu.dma_semaphore, #tpu.memory_space<semaphore_mem>>)
        %dma_wait3A_79 = arith.constant 0 : i32
        %dma_wait3A_80 = tpu.memref_slice %arg5[%mul3A_73, %dma_wait3A_79] : memref<10240x16xf32, #tpu.memory_space<hbm>> -> memref<640x16xf32, #tpu.memory_space<hbm>>
        %dma_wait3A_81 = arith.constant 0 : i32
        %dma_wait3A_82 = tpu.memref_slice %arg19[%mul3A_64, %dma_wait3A_81] : memref<10240x16xf32, #tpu.memory_space<vmem_shared>> -> memref<640x16xf32, #tpu.memory_space<vmem_shared>>
        tpu.wait_dma2 semaphore(%run_scoped3A_74 : memref<!tpu.dma_semaphore, #tpu.memory_space<semaphore_mem>>) src(%dma_wait3A_82 : memref<640x16xf32, #tpu.memory_space<vmem_shared>>) dst(%dma_wait3A_80 : memref<640x16xf32, #tpu.memory_space<hbm>>)
        tpu.yield
      }) : () -> ()
    } else {
    }
    %eq3A_67 = arith.constant 1 : i32
    %eq3A_68 = arith.cmpi eq, %arg0, %eq3A_67 : i32
    %convert_element_type3A_69 = arith.extui %eq3A_68 : i1 to i32
    %cond3A_70 = arith.constant 0 : i32
    %cond3A_71 = arith.cmpi ne, %convert_element_type3A_69, %cond3A_70 : i32
    scf.if %cond3A_71 {
      %mul3A_72 = arith.constant 640 : i32
      %mul3A_73 = arith.muli %arg1, %mul3A_72 : i32
      "tpu.region"() ({
        %run_scoped3A_74 = tpu.sem_alloc : memref<!tpu.dma_semaphore, #tpu.memory_space<semaphore_mem>>
        %dma_start3A_75 = arith.constant 0 : i32
        %dma_start3A_76 = tpu.memref_slice %arg6[%mul3A_73, %dma_start3A_75] : memref<10240x16xf32, #tpu.memory_space<hbm>> -> memref<640x16xf32, #tpu.memory_space<hbm>>
        %dma_start3A_77 = arith.constant 0 : i32
        %dma_start3A_78 = tpu.memref_slice %arg19[%mul3A_64, %dma_start3A_77] : memref<10240x16xf32, #tpu.memory_space<vmem_shared>> -> memref<640x16xf32, #tpu.memory_space<vmem_shared>>
        tpu.enqueue_dma source(%dma_start3A_78 : memref<640x16xf32, #tpu.memory_space<vmem_shared>>) target(%dma_start3A_76 : memref<640x16xf32, #tpu.memory_space<hbm>>) target_semaphore(%run_scoped3A_74 : memref<!tpu.dma_semaphore, #tpu.memory_space<semaphore_mem>>)
        %dma_wait3A_79 = arith.constant 0 : i32
        %dma_wait3A_80 = tpu.memref_slice %arg6[%mul3A_73, %dma_wait3A_79] : memref<10240x16xf32, #tpu.memory_space<hbm>> -> memref<640x16xf32, #tpu.memory_space<hbm>>
        %dma_wait3A_81 = arith.constant 0 : i32
        %dma_wait3A_82 = tpu.memref_slice %arg19[%mul3A_64, %dma_wait3A_81] : memref<10240x16xf32, #tpu.memory_space<vmem_shared>> -> memref<640x16xf32, #tpu.memory_space<vmem_shared>>
        tpu.wait_dma2 semaphore(%run_scoped3A_74 : memref<!tpu.dma_semaphore, #tpu.memory_space<semaphore_mem>>) src(%dma_wait3A_82 : memref<640x16xf32, #tpu.memory_space<vmem_shared>>) dst(%dma_wait3A_80 : memref<640x16xf32, #tpu.memory_space<hbm>>)
        tpu.yield
      }) : () -> ()
    } else {
    }
    return
  }
}

#map = affine_map<(d0, d1) -> (0, 0)>
module attributes {stable_mosaic.version = 14 : i64} {
  func.func @k(%arg0: i32, %arg1: i32, %arg2: memref<10240x16xf32, #tpu.memory_space<hbm>>, %arg3: memref<2x160000xi32, #tpu.memory_space<hbm>>, %arg4: memref<640x16xf32, #tpu.memory_space<hbm>>, %arg5: memref<10240x16xf32, #tpu.memory_space<hbm>>, %arg6: memref<10240x16xf32, #tpu.memory_space<hbm>>, %arg7: memref<1000xi32, #tpu.memory_space<vmem>>, %arg8: memref<1000xi32, #tpu.memory_space<vmem>>, %arg9: memref<1000xi32, #tpu.memory_space<vmem>>, %arg10: memref<1000xi32, #tpu.memory_space<vmem>>, %arg11: memref<1000xi32, #tpu.memory_space<vmem>>, %arg12: memref<1000xi32, #tpu.memory_space<vmem>>, %arg13: memref<1000xi32, #tpu.memory_space<vmem>>, %arg14: memref<1000xi32, #tpu.memory_space<vmem>>, %arg15: memref<1000xi32, #tpu.memory_space<vmem>>, %arg16: memref<1000xi32, #tpu.memory_space<vmem>>, %arg17: memref<1000x16xf32, #tpu.memory_space<vmem>>, %arg18: memref<1000x16xf32, #tpu.memory_space<vmem>>, %arg19: memref<10240x16xf32, #tpu.memory_space<vmem_shared>>, %arg20: memref<!tpu.dma_semaphore, #tpu.memory_space<semaphore_mem>>, %arg21: memref<!tpu.dma_semaphore, #tpu.memory_space<semaphore_mem>>) attributes {dimension_semantics = [#tpu.dimension_semantics<core_parallel>, #tpu.dimension_semantics<subcore_parallel>], iteration_bounds = array<i64: 2, 16>, scalar_prefetch = 0 : i64, scratch_operands = 15 : i64, tpu.core_type = #tpu.core_type<sc_vector_subcore>, window_params = [{transform_indices = #map}, {transform_indices = #map}, {transform_indices = #map}, {transform_indices = #map}, {transform_indices = #map}]} {
    %mul3A = arith.constant 16 : i32
    %mul3A_0 = arith.muli %arg0, %mul3A : i32
    %add3A = arith.addi %mul3A_0, %arg1 : i32
    %mul3A_1 = arith.constant 5000 : i32
    %mul3A_2 = arith.muli %add3A, %mul3A_1 : i32
    %add3A_3 = arith.constant 0 : i32
    %add3A_4 = arith.addi %mul3A_2, %add3A_3 : i32
    %run_scoped3A = arith.constant 0 : i32
    "tpu.region"() ({
      %run_scoped3A_72 = tpu.sem_alloc : memref<!tpu.dma_semaphore, #tpu.memory_space<semaphore_mem>>
      %dma_start3A_73 = tpu.memref_slice %arg3[%run_scoped3A, %add3A_4] : memref<2x160000xi32, #tpu.memory_space<hbm>> -> memref<1x1000xi32, #tpu.memory_space<hbm>>
      %dma_start3A_74 = tpu.memref_squeeze %dma_start3A_73 : memref<1x1000xi32, #tpu.memory_space<hbm>> -> memref<1000xi32, #tpu.memory_space<hbm>>
      %dma_start3A_75 = tpu.memref_slice %arg3[%run_scoped3A, %add3A_4] : memref<2x160000xi32, #tpu.memory_space<hbm>> -> memref<1x1000xi32, #tpu.memory_space<hbm>>
      %dma_start3A_76 = tpu.memref_squeeze %dma_start3A_75 : memref<1x1000xi32, #tpu.memory_space<hbm>> -> memref<1000xi32, #tpu.memory_space<hbm>>
      tpu.enqueue_dma source(%dma_start3A_76 : memref<1000xi32, #tpu.memory_space<hbm>>) target(%arg7 : memref<1000xi32, #tpu.memory_space<vmem>>) target_semaphore(%run_scoped3A_72 : memref<!tpu.dma_semaphore, #tpu.memory_space<semaphore_mem>>)
      %dma_wait3A_77 = tpu.memref_slice %arg3[%run_scoped3A, %add3A_4] : memref<2x160000xi32, #tpu.memory_space<hbm>> -> memref<1x1000xi32, #tpu.memory_space<hbm>>
      %dma_wait3A_78 = tpu.memref_squeeze %dma_wait3A_77 : memref<1x1000xi32, #tpu.memory_space<hbm>> -> memref<1000xi32, #tpu.memory_space<hbm>>
      %dma_wait3A_79 = tpu.memref_slice %arg3[%run_scoped3A, %add3A_4] : memref<2x160000xi32, #tpu.memory_space<hbm>> -> memref<1x1000xi32, #tpu.memory_space<hbm>>
      %dma_wait3A_80 = tpu.memref_squeeze %dma_wait3A_79 : memref<1x1000xi32, #tpu.memory_space<hbm>> -> memref<1000xi32, #tpu.memory_space<hbm>>
      tpu.wait_dma2 semaphore(%run_scoped3A_72 : memref<!tpu.dma_semaphore, #tpu.memory_space<semaphore_mem>>) src(%dma_wait3A_80 : memref<1000xi32, #tpu.memory_space<hbm>>) dst(%arg7 : memref<1000xi32, #tpu.memory_space<vmem>>)
      tpu.yield
    }) : () -> ()
    %add3A_5 = arith.constant 0 : i32
    %add3A_6 = arith.addi %mul3A_2, %add3A_5 : i32
    %run_scoped3A_7 = arith.constant 1 : i32
    "tpu.region"() ({
      %run_scoped3A_72 = tpu.sem_alloc : memref<!tpu.dma_semaphore, #tpu.memory_space<semaphore_mem>>
      %dma_start3A_73 = tpu.memref_slice %arg3[%run_scoped3A_7, %add3A_6] : memref<2x160000xi32, #tpu.memory_space<hbm>> -> memref<1x1000xi32, #tpu.memory_space<hbm>>
      %dma_start3A_74 = tpu.memref_squeeze %dma_start3A_73 : memref<1x1000xi32, #tpu.memory_space<hbm>> -> memref<1000xi32, #tpu.memory_space<hbm>>
      %dma_start3A_75 = tpu.memref_slice %arg3[%run_scoped3A_7, %add3A_6] : memref<2x160000xi32, #tpu.memory_space<hbm>> -> memref<1x1000xi32, #tpu.memory_space<hbm>>
      %dma_start3A_76 = tpu.memref_squeeze %dma_start3A_75 : memref<1x1000xi32, #tpu.memory_space<hbm>> -> memref<1000xi32, #tpu.memory_space<hbm>>
      tpu.enqueue_dma source(%dma_start3A_76 : memref<1000xi32, #tpu.memory_space<hbm>>) target(%arg12 : memref<1000xi32, #tpu.memory_space<vmem>>) target_semaphore(%run_scoped3A_72 : memref<!tpu.dma_semaphore, #tpu.memory_space<semaphore_mem>>)
      %dma_wait3A_77 = tpu.memref_slice %arg3[%run_scoped3A_7, %add3A_6] : memref<2x160000xi32, #tpu.memory_space<hbm>> -> memref<1x1000xi32, #tpu.memory_space<hbm>>
      %dma_wait3A_78 = tpu.memref_squeeze %dma_wait3A_77 : memref<1x1000xi32, #tpu.memory_space<hbm>> -> memref<1000xi32, #tpu.memory_space<hbm>>
      %dma_wait3A_79 = tpu.memref_slice %arg3[%run_scoped3A_7, %add3A_6] : memref<2x160000xi32, #tpu.memory_space<hbm>> -> memref<1x1000xi32, #tpu.memory_space<hbm>>
      %dma_wait3A_80 = tpu.memref_squeeze %dma_wait3A_79 : memref<1x1000xi32, #tpu.memory_space<hbm>> -> memref<1000xi32, #tpu.memory_space<hbm>>
      tpu.wait_dma2 semaphore(%run_scoped3A_72 : memref<!tpu.dma_semaphore, #tpu.memory_space<semaphore_mem>>) src(%dma_wait3A_80 : memref<1000xi32, #tpu.memory_space<hbm>>) dst(%arg12 : memref<1000xi32, #tpu.memory_space<vmem>>)
      tpu.yield
    }) : () -> ()
    %add3A_8 = arith.constant 1000 : i32
    %add3A_9 = arith.addi %mul3A_2, %add3A_8 : i32
    %run_scoped3A_10 = arith.constant 0 : i32
    "tpu.region"() ({
      %run_scoped3A_72 = tpu.sem_alloc : memref<!tpu.dma_semaphore, #tpu.memory_space<semaphore_mem>>
      %dma_start3A_73 = tpu.memref_slice %arg3[%run_scoped3A_10, %add3A_9] : memref<2x160000xi32, #tpu.memory_space<hbm>> -> memref<1x1000xi32, #tpu.memory_space<hbm>>
      %dma_start3A_74 = tpu.memref_squeeze %dma_start3A_73 : memref<1x1000xi32, #tpu.memory_space<hbm>> -> memref<1000xi32, #tpu.memory_space<hbm>>
      %dma_start3A_75 = tpu.memref_slice %arg3[%run_scoped3A_10, %add3A_9] : memref<2x160000xi32, #tpu.memory_space<hbm>> -> memref<1x1000xi32, #tpu.memory_space<hbm>>
      %dma_start3A_76 = tpu.memref_squeeze %dma_start3A_75 : memref<1x1000xi32, #tpu.memory_space<hbm>> -> memref<1000xi32, #tpu.memory_space<hbm>>
      tpu.enqueue_dma source(%dma_start3A_76 : memref<1000xi32, #tpu.memory_space<hbm>>) target(%arg8 : memref<1000xi32, #tpu.memory_space<vmem>>) target_semaphore(%run_scoped3A_72 : memref<!tpu.dma_semaphore, #tpu.memory_space<semaphore_mem>>)
      %dma_wait3A_77 = tpu.memref_slice %arg3[%run_scoped3A_10, %add3A_9] : memref<2x160000xi32, #tpu.memory_space<hbm>> -> memref<1x1000xi32, #tpu.memory_space<hbm>>
      %dma_wait3A_78 = tpu.memref_squeeze %dma_wait3A_77 : memref<1x1000xi32, #tpu.memory_space<hbm>> -> memref<1000xi32, #tpu.memory_space<hbm>>
      %dma_wait3A_79 = tpu.memref_slice %arg3[%run_scoped3A_10, %add3A_9] : memref<2x160000xi32, #tpu.memory_space<hbm>> -> memref<1x1000xi32, #tpu.memory_space<hbm>>
      %dma_wait3A_80 = tpu.memref_squeeze %dma_wait3A_79 : memref<1x1000xi32, #tpu.memory_space<hbm>> -> memref<1000xi32, #tpu.memory_space<hbm>>
      tpu.wait_dma2 semaphore(%run_scoped3A_72 : memref<!tpu.dma_semaphore, #tpu.memory_space<semaphore_mem>>) src(%dma_wait3A_80 : memref<1000xi32, #tpu.memory_space<hbm>>) dst(%arg8 : memref<1000xi32, #tpu.memory_space<vmem>>)
      tpu.yield
    }) : () -> ()
    %add3A_11 = arith.constant 1000 : i32
    %add3A_12 = arith.addi %mul3A_2, %add3A_11 : i32
    %run_scoped3A_13 = arith.constant 1 : i32
    "tpu.region"() ({
      %run_scoped3A_72 = tpu.sem_alloc : memref<!tpu.dma_semaphore, #tpu.memory_space<semaphore_mem>>
      %dma_start3A_73 = tpu.memref_slice %arg3[%run_scoped3A_13, %add3A_12] : memref<2x160000xi32, #tpu.memory_space<hbm>> -> memref<1x1000xi32, #tpu.memory_space<hbm>>
      %dma_start3A_74 = tpu.memref_squeeze %dma_start3A_73 : memref<1x1000xi32, #tpu.memory_space<hbm>> -> memref<1000xi32, #tpu.memory_space<hbm>>
      %dma_start3A_75 = tpu.memref_slice %arg3[%run_scoped3A_13, %add3A_12] : memref<2x160000xi32, #tpu.memory_space<hbm>> -> memref<1x1000xi32, #tpu.memory_space<hbm>>
      %dma_start3A_76 = tpu.memref_squeeze %dma_start3A_75 : memref<1x1000xi32, #tpu.memory_space<hbm>> -> memref<1000xi32, #tpu.memory_space<hbm>>
      tpu.enqueue_dma source(%dma_start3A_76 : memref<1000xi32, #tpu.memory_space<hbm>>) target(%arg13 : memref<1000xi32, #tpu.memory_space<vmem>>) target_semaphore(%run_scoped3A_72 : memref<!tpu.dma_semaphore, #tpu.memory_space<semaphore_mem>>)
      %dma_wait3A_77 = tpu.memref_slice %arg3[%run_scoped3A_13, %add3A_12] : memref<2x160000xi32, #tpu.memory_space<hbm>> -> memref<1x1000xi32, #tpu.memory_space<hbm>>
      %dma_wait3A_78 = tpu.memref_squeeze %dma_wait3A_77 : memref<1x1000xi32, #tpu.memory_space<hbm>> -> memref<1000xi32, #tpu.memory_space<hbm>>
      %dma_wait3A_79 = tpu.memref_slice %arg3[%run_scoped3A_13, %add3A_12] : memref<2x160000xi32, #tpu.memory_space<hbm>> -> memref<1x1000xi32, #tpu.memory_space<hbm>>
      %dma_wait3A_80 = tpu.memref_squeeze %dma_wait3A_79 : memref<1x1000xi32, #tpu.memory_space<hbm>> -> memref<1000xi32, #tpu.memory_space<hbm>>
      tpu.wait_dma2 semaphore(%run_scoped3A_72 : memref<!tpu.dma_semaphore, #tpu.memory_space<semaphore_mem>>) src(%dma_wait3A_80 : memref<1000xi32, #tpu.memory_space<hbm>>) dst(%arg13 : memref<1000xi32, #tpu.memory_space<vmem>>)
      tpu.yield
    }) : () -> ()
    %add3A_14 = arith.constant 2000 : i32
    %add3A_15 = arith.addi %mul3A_2, %add3A_14 : i32
    %run_scoped3A_16 = arith.constant 0 : i32
    "tpu.region"() ({
      %run_scoped3A_72 = tpu.sem_alloc : memref<!tpu.dma_semaphore, #tpu.memory_space<semaphore_mem>>
      %dma_start3A_73 = tpu.memref_slice %arg3[%run_scoped3A_16, %add3A_15] : memref<2x160000xi32, #tpu.memory_space<hbm>> -> memref<1x1000xi32, #tpu.memory_space<hbm>>
      %dma_start3A_74 = tpu.memref_squeeze %dma_start3A_73 : memref<1x1000xi32, #tpu.memory_space<hbm>> -> memref<1000xi32, #tpu.memory_space<hbm>>
      %dma_start3A_75 = tpu.memref_slice %arg3[%run_scoped3A_16, %add3A_15] : memref<2x160000xi32, #tpu.memory_space<hbm>> -> memref<1x1000xi32, #tpu.memory_space<hbm>>
      %dma_start3A_76 = tpu.memref_squeeze %dma_start3A_75 : memref<1x1000xi32, #tpu.memory_space<hbm>> -> memref<1000xi32, #tpu.memory_space<hbm>>
      tpu.enqueue_dma source(%dma_start3A_76 : memref<1000xi32, #tpu.memory_space<hbm>>) target(%arg9 : memref<1000xi32, #tpu.memory_space<vmem>>) target_semaphore(%run_scoped3A_72 : memref<!tpu.dma_semaphore, #tpu.memory_space<semaphore_mem>>)
      %dma_wait3A_77 = tpu.memref_slice %arg3[%run_scoped3A_16, %add3A_15] : memref<2x160000xi32, #tpu.memory_space<hbm>> -> memref<1x1000xi32, #tpu.memory_space<hbm>>
      %dma_wait3A_78 = tpu.memref_squeeze %dma_wait3A_77 : memref<1x1000xi32, #tpu.memory_space<hbm>> -> memref<1000xi32, #tpu.memory_space<hbm>>
      %dma_wait3A_79 = tpu.memref_slice %arg3[%run_scoped3A_16, %add3A_15] : memref<2x160000xi32, #tpu.memory_space<hbm>> -> memref<1x1000xi32, #tpu.memory_space<hbm>>
      %dma_wait3A_80 = tpu.memref_squeeze %dma_wait3A_79 : memref<1x1000xi32, #tpu.memory_space<hbm>> -> memref<1000xi32, #tpu.memory_space<hbm>>
      tpu.wait_dma2 semaphore(%run_scoped3A_72 : memref<!tpu.dma_semaphore, #tpu.memory_space<semaphore_mem>>) src(%dma_wait3A_80 : memref<1000xi32, #tpu.memory_space<hbm>>) dst(%arg9 : memref<1000xi32, #tpu.memory_space<vmem>>)
      tpu.yield
    }) : () -> ()
    %add3A_17 = arith.constant 2000 : i32
    %add3A_18 = arith.addi %mul3A_2, %add3A_17 : i32
    %run_scoped3A_19 = arith.constant 1 : i32
    "tpu.region"() ({
      %run_scoped3A_72 = tpu.sem_alloc : memref<!tpu.dma_semaphore, #tpu.memory_space<semaphore_mem>>
      %dma_start3A_73 = tpu.memref_slice %arg3[%run_scoped3A_19, %add3A_18] : memref<2x160000xi32, #tpu.memory_space<hbm>> -> memref<1x1000xi32, #tpu.memory_space<hbm>>
      %dma_start3A_74 = tpu.memref_squeeze %dma_start3A_73 : memref<1x1000xi32, #tpu.memory_space<hbm>> -> memref<1000xi32, #tpu.memory_space<hbm>>
      %dma_start3A_75 = tpu.memref_slice %arg3[%run_scoped3A_19, %add3A_18] : memref<2x160000xi32, #tpu.memory_space<hbm>> -> memref<1x1000xi32, #tpu.memory_space<hbm>>
      %dma_start3A_76 = tpu.memref_squeeze %dma_start3A_75 : memref<1x1000xi32, #tpu.memory_space<hbm>> -> memref<1000xi32, #tpu.memory_space<hbm>>
      tpu.enqueue_dma source(%dma_start3A_76 : memref<1000xi32, #tpu.memory_space<hbm>>) target(%arg14 : memref<1000xi32, #tpu.memory_space<vmem>>) target_semaphore(%run_scoped3A_72 : memref<!tpu.dma_semaphore, #tpu.memory_space<semaphore_mem>>)
      %dma_wait3A_77 = tpu.memref_slice %arg3[%run_scoped3A_19, %add3A_18] : memref<2x160000xi32, #tpu.memory_space<hbm>> -> memref<1x1000xi32, #tpu.memory_space<hbm>>
      %dma_wait3A_78 = tpu.memref_squeeze %dma_wait3A_77 : memref<1x1000xi32, #tpu.memory_space<hbm>> -> memref<1000xi32, #tpu.memory_space<hbm>>
      %dma_wait3A_79 = tpu.memref_slice %arg3[%run_scoped3A_19, %add3A_18] : memref<2x160000xi32, #tpu.memory_space<hbm>> -> memref<1x1000xi32, #tpu.memory_space<hbm>>
      %dma_wait3A_80 = tpu.memref_squeeze %dma_wait3A_79 : memref<1x1000xi32, #tpu.memory_space<hbm>> -> memref<1000xi32, #tpu.memory_space<hbm>>
      tpu.wait_dma2 semaphore(%run_scoped3A_72 : memref<!tpu.dma_semaphore, #tpu.memory_space<semaphore_mem>>) src(%dma_wait3A_80 : memref<1000xi32, #tpu.memory_space<hbm>>) dst(%arg14 : memref<1000xi32, #tpu.memory_space<vmem>>)
      tpu.yield
    }) : () -> ()
    %add3A_20 = arith.constant 3000 : i32
    %add3A_21 = arith.addi %mul3A_2, %add3A_20 : i32
    %run_scoped3A_22 = arith.constant 0 : i32
    "tpu.region"() ({
      %run_scoped3A_72 = tpu.sem_alloc : memref<!tpu.dma_semaphore, #tpu.memory_space<semaphore_mem>>
      %dma_start3A_73 = tpu.memref_slice %arg3[%run_scoped3A_22, %add3A_21] : memref<2x160000xi32, #tpu.memory_space<hbm>> -> memref<1x1000xi32, #tpu.memory_space<hbm>>
      %dma_start3A_74 = tpu.memref_squeeze %dma_start3A_73 : memref<1x1000xi32, #tpu.memory_space<hbm>> -> memref<1000xi32, #tpu.memory_space<hbm>>
      %dma_start3A_75 = tpu.memref_slice %arg3[%run_scoped3A_22, %add3A_21] : memref<2x160000xi32, #tpu.memory_space<hbm>> -> memref<1x1000xi32, #tpu.memory_space<hbm>>
      %dma_start3A_76 = tpu.memref_squeeze %dma_start3A_75 : memref<1x1000xi32, #tpu.memory_space<hbm>> -> memref<1000xi32, #tpu.memory_space<hbm>>
      tpu.enqueue_dma source(%dma_start3A_76 : memref<1000xi32, #tpu.memory_space<hbm>>) target(%arg10 : memref<1000xi32, #tpu.memory_space<vmem>>) target_semaphore(%run_scoped3A_72 : memref<!tpu.dma_semaphore, #tpu.memory_space<semaphore_mem>>)
      %dma_wait3A_77 = tpu.memref_slice %arg3[%run_scoped3A_22, %add3A_21] : memref<2x160000xi32, #tpu.memory_space<hbm>> -> memref<1x1000xi32, #tpu.memory_space<hbm>>
      %dma_wait3A_78 = tpu.memref_squeeze %dma_wait3A_77 : memref<1x1000xi32, #tpu.memory_space<hbm>> -> memref<1000xi32, #tpu.memory_space<hbm>>
      %dma_wait3A_79 = tpu.memref_slice %arg3[%run_scoped3A_22, %add3A_21] : memref<2x160000xi32, #tpu.memory_space<hbm>> -> memref<1x1000xi32, #tpu.memory_space<hbm>>
      %dma_wait3A_80 = tpu.memref_squeeze %dma_wait3A_79 : memref<1x1000xi32, #tpu.memory_space<hbm>> -> memref<1000xi32, #tpu.memory_space<hbm>>
      tpu.wait_dma2 semaphore(%run_scoped3A_72 : memref<!tpu.dma_semaphore, #tpu.memory_space<semaphore_mem>>) src(%dma_wait3A_80 : memref<1000xi32, #tpu.memory_space<hbm>>) dst(%arg10 : memref<1000xi32, #tpu.memory_space<vmem>>)
      tpu.yield
    }) : () -> ()
    %add3A_23 = arith.constant 3000 : i32
    %add3A_24 = arith.addi %mul3A_2, %add3A_23 : i32
    %run_scoped3A_25 = arith.constant 1 : i32
    "tpu.region"() ({
      %run_scoped3A_72 = tpu.sem_alloc : memref<!tpu.dma_semaphore, #tpu.memory_space<semaphore_mem>>
      %dma_start3A_73 = tpu.memref_slice %arg3[%run_scoped3A_25, %add3A_24] : memref<2x160000xi32, #tpu.memory_space<hbm>> -> memref<1x1000xi32, #tpu.memory_space<hbm>>
      %dma_start3A_74 = tpu.memref_squeeze %dma_start3A_73 : memref<1x1000xi32, #tpu.memory_space<hbm>> -> memref<1000xi32, #tpu.memory_space<hbm>>
      %dma_start3A_75 = tpu.memref_slice %arg3[%run_scoped3A_25, %add3A_24] : memref<2x160000xi32, #tpu.memory_space<hbm>> -> memref<1x1000xi32, #tpu.memory_space<hbm>>
      %dma_start3A_76 = tpu.memref_squeeze %dma_start3A_75 : memref<1x1000xi32, #tpu.memory_space<hbm>> -> memref<1000xi32, #tpu.memory_space<hbm>>
      tpu.enqueue_dma source(%dma_start3A_76 : memref<1000xi32, #tpu.memory_space<hbm>>) target(%arg15 : memref<1000xi32, #tpu.memory_space<vmem>>) target_semaphore(%run_scoped3A_72 : memref<!tpu.dma_semaphore, #tpu.memory_space<semaphore_mem>>)
      %dma_wait3A_77 = tpu.memref_slice %arg3[%run_scoped3A_25, %add3A_24] : memref<2x160000xi32, #tpu.memory_space<hbm>> -> memref<1x1000xi32, #tpu.memory_space<hbm>>
      %dma_wait3A_78 = tpu.memref_squeeze %dma_wait3A_77 : memref<1x1000xi32, #tpu.memory_space<hbm>> -> memref<1000xi32, #tpu.memory_space<hbm>>
      %dma_wait3A_79 = tpu.memref_slice %arg3[%run_scoped3A_25, %add3A_24] : memref<2x160000xi32, #tpu.memory_space<hbm>> -> memref<1x1000xi32, #tpu.memory_space<hbm>>
      %dma_wait3A_80 = tpu.memref_squeeze %dma_wait3A_79 : memref<1x1000xi32, #tpu.memory_space<hbm>> -> memref<1000xi32, #tpu.memory_space<hbm>>
      tpu.wait_dma2 semaphore(%run_scoped3A_72 : memref<!tpu.dma_semaphore, #tpu.memory_space<semaphore_mem>>) src(%dma_wait3A_80 : memref<1000xi32, #tpu.memory_space<hbm>>) dst(%arg15 : memref<1000xi32, #tpu.memory_space<vmem>>)
      tpu.yield
    }) : () -> ()
    %add3A_26 = arith.constant 4000 : i32
    %add3A_27 = arith.addi %mul3A_2, %add3A_26 : i32
    %run_scoped3A_28 = arith.constant 0 : i32
    "tpu.region"() ({
      %run_scoped3A_72 = tpu.sem_alloc : memref<!tpu.dma_semaphore, #tpu.memory_space<semaphore_mem>>
      %dma_start3A_73 = tpu.memref_slice %arg3[%run_scoped3A_28, %add3A_27] : memref<2x160000xi32, #tpu.memory_space<hbm>> -> memref<1x1000xi32, #tpu.memory_space<hbm>>
      %dma_start3A_74 = tpu.memref_squeeze %dma_start3A_73 : memref<1x1000xi32, #tpu.memory_space<hbm>> -> memref<1000xi32, #tpu.memory_space<hbm>>
      %dma_start3A_75 = tpu.memref_slice %arg3[%run_scoped3A_28, %add3A_27] : memref<2x160000xi32, #tpu.memory_space<hbm>> -> memref<1x1000xi32, #tpu.memory_space<hbm>>
      %dma_start3A_76 = tpu.memref_squeeze %dma_start3A_75 : memref<1x1000xi32, #tpu.memory_space<hbm>> -> memref<1000xi32, #tpu.memory_space<hbm>>
      tpu.enqueue_dma source(%dma_start3A_76 : memref<1000xi32, #tpu.memory_space<hbm>>) target(%arg11 : memref<1000xi32, #tpu.memory_space<vmem>>) target_semaphore(%run_scoped3A_72 : memref<!tpu.dma_semaphore, #tpu.memory_space<semaphore_mem>>)
      %dma_wait3A_77 = tpu.memref_slice %arg3[%run_scoped3A_28, %add3A_27] : memref<2x160000xi32, #tpu.memory_space<hbm>> -> memref<1x1000xi32, #tpu.memory_space<hbm>>
      %dma_wait3A_78 = tpu.memref_squeeze %dma_wait3A_77 : memref<1x1000xi32, #tpu.memory_space<hbm>> -> memref<1000xi32, #tpu.memory_space<hbm>>
      %dma_wait3A_79 = tpu.memref_slice %arg3[%run_scoped3A_28, %add3A_27] : memref<2x160000xi32, #tpu.memory_space<hbm>> -> memref<1x1000xi32, #tpu.memory_space<hbm>>
      %dma_wait3A_80 = tpu.memref_squeeze %dma_wait3A_79 : memref<1x1000xi32, #tpu.memory_space<hbm>> -> memref<1000xi32, #tpu.memory_space<hbm>>
      tpu.wait_dma2 semaphore(%run_scoped3A_72 : memref<!tpu.dma_semaphore, #tpu.memory_space<semaphore_mem>>) src(%dma_wait3A_80 : memref<1000xi32, #tpu.memory_space<hbm>>) dst(%arg11 : memref<1000xi32, #tpu.memory_space<vmem>>)
      tpu.yield
    }) : () -> ()
    %add3A_29 = arith.constant 4000 : i32
    %add3A_30 = arith.addi %mul3A_2, %add3A_29 : i32
    %run_scoped3A_31 = arith.constant 1 : i32
    "tpu.region"() ({
      %run_scoped3A_72 = tpu.sem_alloc : memref<!tpu.dma_semaphore, #tpu.memory_space<semaphore_mem>>
      %dma_start3A_73 = tpu.memref_slice %arg3[%run_scoped3A_31, %add3A_30] : memref<2x160000xi32, #tpu.memory_space<hbm>> -> memref<1x1000xi32, #tpu.memory_space<hbm>>
      %dma_start3A_74 = tpu.memref_squeeze %dma_start3A_73 : memref<1x1000xi32, #tpu.memory_space<hbm>> -> memref<1000xi32, #tpu.memory_space<hbm>>
      %dma_start3A_75 = tpu.memref_slice %arg3[%run_scoped3A_31, %add3A_30] : memref<2x160000xi32, #tpu.memory_space<hbm>> -> memref<1x1000xi32, #tpu.memory_space<hbm>>
      %dma_start3A_76 = tpu.memref_squeeze %dma_start3A_75 : memref<1x1000xi32, #tpu.memory_space<hbm>> -> memref<1000xi32, #tpu.memory_space<hbm>>
      tpu.enqueue_dma source(%dma_start3A_76 : memref<1000xi32, #tpu.memory_space<hbm>>) target(%arg16 : memref<1000xi32, #tpu.memory_space<vmem>>) target_semaphore(%run_scoped3A_72 : memref<!tpu.dma_semaphore, #tpu.memory_space<semaphore_mem>>)
      %dma_wait3A_77 = tpu.memref_slice %arg3[%run_scoped3A_31, %add3A_30] : memref<2x160000xi32, #tpu.memory_space<hbm>> -> memref<1x1000xi32, #tpu.memory_space<hbm>>
      %dma_wait3A_78 = tpu.memref_squeeze %dma_wait3A_77 : memref<1x1000xi32, #tpu.memory_space<hbm>> -> memref<1000xi32, #tpu.memory_space<hbm>>
      %dma_wait3A_79 = tpu.memref_slice %arg3[%run_scoped3A_31, %add3A_30] : memref<2x160000xi32, #tpu.memory_space<hbm>> -> memref<1x1000xi32, #tpu.memory_space<hbm>>
      %dma_wait3A_80 = tpu.memref_squeeze %dma_wait3A_79 : memref<1x1000xi32, #tpu.memory_space<hbm>> -> memref<1000xi32, #tpu.memory_space<hbm>>
      tpu.wait_dma2 semaphore(%run_scoped3A_72 : memref<!tpu.dma_semaphore, #tpu.memory_space<semaphore_mem>>) src(%dma_wait3A_80 : memref<1000xi32, #tpu.memory_space<hbm>>) dst(%arg16 : memref<1000xi32, #tpu.memory_space<vmem>>)
      tpu.yield
    }) : () -> ()
    %mul3A_32 = arith.constant 640 : i32
    %mul3A_33 = arith.muli %arg1, %mul3A_32 : i32
    "tpu.region"() ({
      %run_scoped3A_72 = tpu.sem_alloc : memref<!tpu.dma_semaphore, #tpu.memory_space<semaphore_mem>>
      %dma_start3A_73 = arith.constant 0 : i32
      %dma_start3A_74 = tpu.memref_slice %arg19[%mul3A_33, %dma_start3A_73] : memref<10240x16xf32, #tpu.memory_space<vmem_shared>> -> memref<640x16xf32, #tpu.memory_space<vmem_shared>>
      tpu.enqueue_dma source(%arg4 : memref<640x16xf32, #tpu.memory_space<hbm>>) target(%dma_start3A_74 : memref<640x16xf32, #tpu.memory_space<vmem_shared>>) target_semaphore(%run_scoped3A_72 : memref<!tpu.dma_semaphore, #tpu.memory_space<semaphore_mem>>)
      %dma_wait3A_75 = arith.constant 0 : i32
      %dma_wait3A_76 = tpu.memref_slice %arg19[%mul3A_33, %dma_wait3A_75] : memref<10240x16xf32, #tpu.memory_space<vmem_shared>> -> memref<640x16xf32, #tpu.memory_space<vmem_shared>>
      tpu.wait_dma2 semaphore(%run_scoped3A_72 : memref<!tpu.dma_semaphore, #tpu.memory_space<semaphore_mem>>) src(%arg4 : memref<640x16xf32, #tpu.memory_space<hbm>>) dst(%dma_wait3A_76 : memref<640x16xf32, #tpu.memory_space<vmem_shared>>)
      tpu.yield
    }) : () -> ()
    %barrier3A = arith.constant 0 : index
    tpu.barrier barrier_id(%barrier3A)
    %dma_start3A = arith.constant 0 : i32
    %dma_start3A_34 = arith.constant 0 : i32
    %dma_start3A_35 = tpu.memref_slice %arg2[%dma_start3A, %dma_start3A_34] : memref<10240x16xf32, #tpu.memory_space<hbm>> -> memref<10240x16xf32, #tpu.memory_space<hbm>>
    tpu.enqueue_indirect_dma source(%dma_start3A_35 : memref<10240x16xf32, #tpu.memory_space<hbm>>) target(%arg17 : memref<1000x16xf32, #tpu.memory_space<vmem>>) offsets(%arg7 : memref<1000xi32, #tpu.memory_space<vmem>>) semaphore(%arg20 : memref<!tpu.dma_semaphore, #tpu.memory_space<semaphore_mem>>)
    %dma_start3A_36 = arith.constant 0 : i32
    %dma_start3A_37 = arith.constant 0 : i32
    %dma_start3A_38 = tpu.memref_slice %arg2[%dma_start3A_36, %dma_start3A_37] : memref<10240x16xf32, #tpu.memory_space<hbm>> -> memref<10240x16xf32, #tpu.memory_space<hbm>>
    tpu.enqueue_indirect_dma source(%dma_start3A_38 : memref<10240x16xf32, #tpu.memory_space<hbm>>) target(%arg18 : memref<1000x16xf32, #tpu.memory_space<vmem>>) offsets(%arg8 : memref<1000xi32, #tpu.memory_space<vmem>>) semaphore(%arg21 : memref<!tpu.dma_semaphore, #tpu.memory_space<semaphore_mem>>)
    %dma_wait3A = arith.constant 0 : i32
    %dma_wait3A_39 = arith.constant 0 : i32
    %dma_wait3A_40 = tpu.memref_slice %arg2[%dma_wait3A, %dma_wait3A_39] : memref<10240x16xf32, #tpu.memory_space<hbm>> -> memref<10240x16xf32, #tpu.memory_space<hbm>>
    tpu.wait_indirect_dma semaphore(%arg20 : memref<!tpu.dma_semaphore, #tpu.memory_space<semaphore_mem>>) src(%dma_wait3A_40 : memref<10240x16xf32, #tpu.memory_space<hbm>>) dst(%arg17 : memref<1000x16xf32, #tpu.memory_space<vmem>>)
    "tpu.region"() ({
      %run_scoped3A_72 = tpu.sem_alloc : memref<!tpu.dma_semaphore, #tpu.memory_space<semaphore_mem>>
      %dma_start3A_73 = arith.constant 0 : i32
      %dma_start3A_74 = arith.constant 0 : i32
      %dma_start3A_75 = tpu.memref_slice %arg19[%dma_start3A_73, %dma_start3A_74] : memref<10240x16xf32, #tpu.memory_space<vmem_shared>> -> memref<10240x16xf32, #tpu.memory_space<vmem_shared>>
      tpu.enqueue_indirect_dma source(%arg17 : memref<1000x16xf32, #tpu.memory_space<vmem>>) target(%dma_start3A_75 : memref<10240x16xf32, #tpu.memory_space<vmem_shared>>) offsets(%arg12 : memref<1000xi32, #tpu.memory_space<vmem>>) semaphore(%run_scoped3A_72 : memref<!tpu.dma_semaphore, #tpu.memory_space<semaphore_mem>>) {add = true}
      %dma_wait3A_76 = arith.constant 0 : i32
      %dma_wait3A_77 = arith.constant 0 : i32
      %dma_wait3A_78 = tpu.memref_slice %arg19[%dma_wait3A_76, %dma_wait3A_77] : memref<10240x16xf32, #tpu.memory_space<vmem_shared>> -> memref<10240x16xf32, #tpu.memory_space<vmem_shared>>
      tpu.wait_indirect_dma semaphore(%run_scoped3A_72 : memref<!tpu.dma_semaphore, #tpu.memory_space<semaphore_mem>>) src(%arg17 : memref<1000x16xf32, #tpu.memory_space<vmem>>) dst(%dma_wait3A_78 : memref<10240x16xf32, #tpu.memory_space<vmem_shared>>)
      tpu.yield
    }) : () -> ()
    %dma_start3A_41 = arith.constant 0 : i32
    %dma_start3A_42 = arith.constant 0 : i32
    %dma_start3A_43 = tpu.memref_slice %arg2[%dma_start3A_41, %dma_start3A_42] : memref<10240x16xf32, #tpu.memory_space<hbm>> -> memref<10240x16xf32, #tpu.memory_space<hbm>>
    tpu.enqueue_indirect_dma source(%dma_start3A_43 : memref<10240x16xf32, #tpu.memory_space<hbm>>) target(%arg17 : memref<1000x16xf32, #tpu.memory_space<vmem>>) offsets(%arg9 : memref<1000xi32, #tpu.memory_space<vmem>>) semaphore(%arg20 : memref<!tpu.dma_semaphore, #tpu.memory_space<semaphore_mem>>)
    %dma_wait3A_44 = arith.constant 0 : i32
    %dma_wait3A_45 = arith.constant 0 : i32
    %dma_wait3A_46 = tpu.memref_slice %arg2[%dma_wait3A_44, %dma_wait3A_45] : memref<10240x16xf32, #tpu.memory_space<hbm>> -> memref<10240x16xf32, #tpu.memory_space<hbm>>
    tpu.wait_indirect_dma semaphore(%arg21 : memref<!tpu.dma_semaphore, #tpu.memory_space<semaphore_mem>>) src(%dma_wait3A_46 : memref<10240x16xf32, #tpu.memory_space<hbm>>) dst(%arg18 : memref<1000x16xf32, #tpu.memory_space<vmem>>)
    "tpu.region"() ({
      %run_scoped3A_72 = tpu.sem_alloc : memref<!tpu.dma_semaphore, #tpu.memory_space<semaphore_mem>>
      %dma_start3A_73 = arith.constant 0 : i32
      %dma_start3A_74 = arith.constant 0 : i32
      %dma_start3A_75 = tpu.memref_slice %arg19[%dma_start3A_73, %dma_start3A_74] : memref<10240x16xf32, #tpu.memory_space<vmem_shared>> -> memref<10240x16xf32, #tpu.memory_space<vmem_shared>>
      tpu.enqueue_indirect_dma source(%arg18 : memref<1000x16xf32, #tpu.memory_space<vmem>>) target(%dma_start3A_75 : memref<10240x16xf32, #tpu.memory_space<vmem_shared>>) offsets(%arg13 : memref<1000xi32, #tpu.memory_space<vmem>>) semaphore(%run_scoped3A_72 : memref<!tpu.dma_semaphore, #tpu.memory_space<semaphore_mem>>) {add = true}
      %dma_wait3A_76 = arith.constant 0 : i32
      %dma_wait3A_77 = arith.constant 0 : i32
      %dma_wait3A_78 = tpu.memref_slice %arg19[%dma_wait3A_76, %dma_wait3A_77] : memref<10240x16xf32, #tpu.memory_space<vmem_shared>> -> memref<10240x16xf32, #tpu.memory_space<vmem_shared>>
      tpu.wait_indirect_dma semaphore(%run_scoped3A_72 : memref<!tpu.dma_semaphore, #tpu.memory_space<semaphore_mem>>) src(%arg18 : memref<1000x16xf32, #tpu.memory_space<vmem>>) dst(%dma_wait3A_78 : memref<10240x16xf32, #tpu.memory_space<vmem_shared>>)
      tpu.yield
    }) : () -> ()
    %dma_start3A_47 = arith.constant 0 : i32
    %dma_start3A_48 = arith.constant 0 : i32
    %dma_start3A_49 = tpu.memref_slice %arg2[%dma_start3A_47, %dma_start3A_48] : memref<10240x16xf32, #tpu.memory_space<hbm>> -> memref<10240x16xf32, #tpu.memory_space<hbm>>
    tpu.enqueue_indirect_dma source(%dma_start3A_49 : memref<10240x16xf32, #tpu.memory_space<hbm>>) target(%arg18 : memref<1000x16xf32, #tpu.memory_space<vmem>>) offsets(%arg10 : memref<1000xi32, #tpu.memory_space<vmem>>) semaphore(%arg21 : memref<!tpu.dma_semaphore, #tpu.memory_space<semaphore_mem>>)
    %dma_wait3A_50 = arith.constant 0 : i32
    %dma_wait3A_51 = arith.constant 0 : i32
    %dma_wait3A_52 = tpu.memref_slice %arg2[%dma_wait3A_50, %dma_wait3A_51] : memref<10240x16xf32, #tpu.memory_space<hbm>> -> memref<10240x16xf32, #tpu.memory_space<hbm>>
    tpu.wait_indirect_dma semaphore(%arg20 : memref<!tpu.dma_semaphore, #tpu.memory_space<semaphore_mem>>) src(%dma_wait3A_52 : memref<10240x16xf32, #tpu.memory_space<hbm>>) dst(%arg17 : memref<1000x16xf32, #tpu.memory_space<vmem>>)
    "tpu.region"() ({
      %run_scoped3A_72 = tpu.sem_alloc : memref<!tpu.dma_semaphore, #tpu.memory_space<semaphore_mem>>
      %dma_start3A_73 = arith.constant 0 : i32
      %dma_start3A_74 = arith.constant 0 : i32
      %dma_start3A_75 = tpu.memref_slice %arg19[%dma_start3A_73, %dma_start3A_74] : memref<10240x16xf32, #tpu.memory_space<vmem_shared>> -> memref<10240x16xf32, #tpu.memory_space<vmem_shared>>
      tpu.enqueue_indirect_dma source(%arg17 : memref<1000x16xf32, #tpu.memory_space<vmem>>) target(%dma_start3A_75 : memref<10240x16xf32, #tpu.memory_space<vmem_shared>>) offsets(%arg14 : memref<1000xi32, #tpu.memory_space<vmem>>) semaphore(%run_scoped3A_72 : memref<!tpu.dma_semaphore, #tpu.memory_space<semaphore_mem>>) {add = true}
      %dma_wait3A_76 = arith.constant 0 : i32
      %dma_wait3A_77 = arith.constant 0 : i32
      %dma_wait3A_78 = tpu.memref_slice %arg19[%dma_wait3A_76, %dma_wait3A_77] : memref<10240x16xf32, #tpu.memory_space<vmem_shared>> -> memref<10240x16xf32, #tpu.memory_space<vmem_shared>>
      tpu.wait_indirect_dma semaphore(%run_scoped3A_72 : memref<!tpu.dma_semaphore, #tpu.memory_space<semaphore_mem>>) src(%arg17 : memref<1000x16xf32, #tpu.memory_space<vmem>>) dst(%dma_wait3A_78 : memref<10240x16xf32, #tpu.memory_space<vmem_shared>>)
      tpu.yield
    }) : () -> ()
    %dma_start3A_53 = arith.constant 0 : i32
    %dma_start3A_54 = arith.constant 0 : i32
    %dma_start3A_55 = tpu.memref_slice %arg2[%dma_start3A_53, %dma_start3A_54] : memref<10240x16xf32, #tpu.memory_space<hbm>> -> memref<10240x16xf32, #tpu.memory_space<hbm>>
    tpu.enqueue_indirect_dma source(%dma_start3A_55 : memref<10240x16xf32, #tpu.memory_space<hbm>>) target(%arg17 : memref<1000x16xf32, #tpu.memory_space<vmem>>) offsets(%arg11 : memref<1000xi32, #tpu.memory_space<vmem>>) semaphore(%arg20 : memref<!tpu.dma_semaphore, #tpu.memory_space<semaphore_mem>>)
    %dma_wait3A_56 = arith.constant 0 : i32
    %dma_wait3A_57 = arith.constant 0 : i32
    %dma_wait3A_58 = tpu.memref_slice %arg2[%dma_wait3A_56, %dma_wait3A_57] : memref<10240x16xf32, #tpu.memory_space<hbm>> -> memref<10240x16xf32, #tpu.memory_space<hbm>>
    tpu.wait_indirect_dma semaphore(%arg21 : memref<!tpu.dma_semaphore, #tpu.memory_space<semaphore_mem>>) src(%dma_wait3A_58 : memref<10240x16xf32, #tpu.memory_space<hbm>>) dst(%arg18 : memref<1000x16xf32, #tpu.memory_space<vmem>>)
    "tpu.region"() ({
      %run_scoped3A_72 = tpu.sem_alloc : memref<!tpu.dma_semaphore, #tpu.memory_space<semaphore_mem>>
      %dma_start3A_73 = arith.constant 0 : i32
      %dma_start3A_74 = arith.constant 0 : i32
      %dma_start3A_75 = tpu.memref_slice %arg19[%dma_start3A_73, %dma_start3A_74] : memref<10240x16xf32, #tpu.memory_space<vmem_shared>> -> memref<10240x16xf32, #tpu.memory_space<vmem_shared>>
      tpu.enqueue_indirect_dma source(%arg18 : memref<1000x16xf32, #tpu.memory_space<vmem>>) target(%dma_start3A_75 : memref<10240x16xf32, #tpu.memory_space<vmem_shared>>) offsets(%arg15 : memref<1000xi32, #tpu.memory_space<vmem>>) semaphore(%run_scoped3A_72 : memref<!tpu.dma_semaphore, #tpu.memory_space<semaphore_mem>>) {add = true}
      %dma_wait3A_76 = arith.constant 0 : i32
      %dma_wait3A_77 = arith.constant 0 : i32
      %dma_wait3A_78 = tpu.memref_slice %arg19[%dma_wait3A_76, %dma_wait3A_77] : memref<10240x16xf32, #tpu.memory_space<vmem_shared>> -> memref<10240x16xf32, #tpu.memory_space<vmem_shared>>
      tpu.wait_indirect_dma semaphore(%run_scoped3A_72 : memref<!tpu.dma_semaphore, #tpu.memory_space<semaphore_mem>>) src(%arg18 : memref<1000x16xf32, #tpu.memory_space<vmem>>) dst(%dma_wait3A_78 : memref<10240x16xf32, #tpu.memory_space<vmem_shared>>)
      tpu.yield
    }) : () -> ()
    %dma_wait3A_59 = arith.constant 0 : i32
    %dma_wait3A_60 = arith.constant 0 : i32
    %dma_wait3A_61 = tpu.memref_slice %arg2[%dma_wait3A_59, %dma_wait3A_60] : memref<10240x16xf32, #tpu.memory_space<hbm>> -> memref<10240x16xf32, #tpu.memory_space<hbm>>
    tpu.wait_indirect_dma semaphore(%arg20 : memref<!tpu.dma_semaphore, #tpu.memory_space<semaphore_mem>>) src(%dma_wait3A_61 : memref<10240x16xf32, #tpu.memory_space<hbm>>) dst(%arg17 : memref<1000x16xf32, #tpu.memory_space<vmem>>)
    "tpu.region"() ({
      %run_scoped3A_72 = tpu.sem_alloc : memref<!tpu.dma_semaphore, #tpu.memory_space<semaphore_mem>>
      %dma_start3A_73 = arith.constant 0 : i32
      %dma_start3A_74 = arith.constant 0 : i32
      %dma_start3A_75 = tpu.memref_slice %arg19[%dma_start3A_73, %dma_start3A_74] : memref<10240x16xf32, #tpu.memory_space<vmem_shared>> -> memref<10240x16xf32, #tpu.memory_space<vmem_shared>>
      tpu.enqueue_indirect_dma source(%arg17 : memref<1000x16xf32, #tpu.memory_space<vmem>>) target(%dma_start3A_75 : memref<10240x16xf32, #tpu.memory_space<vmem_shared>>) offsets(%arg16 : memref<1000xi32, #tpu.memory_space<vmem>>) semaphore(%run_scoped3A_72 : memref<!tpu.dma_semaphore, #tpu.memory_space<semaphore_mem>>) {add = true}
      %dma_wait3A_76 = arith.constant 0 : i32
      %dma_wait3A_77 = arith.constant 0 : i32
      %dma_wait3A_78 = tpu.memref_slice %arg19[%dma_wait3A_76, %dma_wait3A_77] : memref<10240x16xf32, #tpu.memory_space<vmem_shared>> -> memref<10240x16xf32, #tpu.memory_space<vmem_shared>>
      tpu.wait_indirect_dma semaphore(%run_scoped3A_72 : memref<!tpu.dma_semaphore, #tpu.memory_space<semaphore_mem>>) src(%arg17 : memref<1000x16xf32, #tpu.memory_space<vmem>>) dst(%dma_wait3A_78 : memref<10240x16xf32, #tpu.memory_space<vmem_shared>>)
      tpu.yield
    }) : () -> ()
    %barrier3A_62 = arith.constant 0 : index
    tpu.barrier barrier_id(%barrier3A_62)
    %mul3A_63 = arith.constant 640 : i32
    %mul3A_64 = arith.muli %arg1, %mul3A_63 : i32
    %eq3A = arith.constant 0 : i32
    %eq3A_65 = arith.cmpi eq, %arg0, %eq3A : i32
    %convert_element_type3A = arith.extui %eq3A_65 : i1 to i32
    %cond3A = arith.constant 0 : i32
    %cond3A_66 = arith.cmpi ne, %convert_element_type3A, %cond3A : i32
    scf.if %cond3A_66 {
      %mul3A_72 = arith.constant 640 : i32
      %mul3A_73 = arith.muli %arg1, %mul3A_72 : i32
      "tpu.region"() ({
        %run_scoped3A_74 = tpu.sem_alloc : memref<!tpu.dma_semaphore, #tpu.memory_space<semaphore_mem>>
        %dma_start3A_75 = arith.constant 0 : i32
        %dma_start3A_76 = tpu.memref_slice %arg5[%mul3A_73, %dma_start3A_75] : memref<10240x16xf32, #tpu.memory_space<hbm>> -> memref<640x16xf32, #tpu.memory_space<hbm>>
        %dma_start3A_77 = arith.constant 0 : i32
        %dma_start3A_78 = tpu.memref_slice %arg19[%mul3A_64, %dma_start3A_77] : memref<10240x16xf32, #tpu.memory_space<vmem_shared>> -> memref<640x16xf32, #tpu.memory_space<vmem_shared>>
        tpu.enqueue_dma source(%dma_start3A_78 : memref<640x16xf32, #tpu.memory_space<vmem_shared>>) target(%dma_start3A_76 : memref<640x16xf32, #tpu.memory_space<hbm>>) target_semaphore(%run_scoped3A_74 : memref<!tpu.dma_semaphore, #tpu.memory_space<semaphore_mem>>)
        %dma_wait3A_79 = arith.constant 0 : i32
        %dma_wait3A_80 = tpu.memref_slice %arg5[%mul3A_73, %dma_wait3A_79] : memref<10240x16xf32, #tpu.memory_space<hbm>> -> memref<640x16xf32, #tpu.memory_space<hbm>>
        %dma_wait3A_81 = arith.constant 0 : i32
        %dma_wait3A_82 = tpu.memref_slice %arg19[%mul3A_64, %dma_wait3A_81] : memref<10240x16xf32, #tpu.memory_space<vmem_shared>> -> memref<640x16xf32, #tpu.memory_space<vmem_shared>>
        tpu.wait_dma2 semaphore(%run_scoped3A_74 : memref<!tpu.dma_semaphore, #tpu.memory_space<semaphore_mem>>) src(%dma_wait3A_82 : memref<640x16xf32, #tpu.memory_space<vmem_shared>>) dst(%dma_wait3A_80 : memref<640x16xf32, #tpu.memory_space<hbm>>)
        tpu.yield
      }) : () -> ()
    } else {
    }
    %eq3A_67 = arith.constant 1 : i32
    %eq3A_68 = arith.cmpi eq, %arg0, %eq3A_67 : i32
    %convert_element_type3A_69 = arith.extui %eq3A_68 : i1 to i32
    %cond3A_70 = arith.constant 0 : i32
    %cond3A_71 = arith.cmpi ne, %convert_element_type3A_69, %cond3A_70 : i32
    scf.if %cond3A_71 {
      %mul3A_72 = arith.constant 640 : i32
      %mul3A_73 = arith.muli %arg1, %mul3A_72 : i32
      "tpu.region"() ({
        %run_scoped3A_74 = tpu.sem_alloc : memref<!tpu.dma_semaphore, #tpu.memory_space<semaphore_mem>>
        %dma_start3A_75 = arith.constant 0 : i32
        %dma_start3A_76 = tpu.memref_slice %arg6[%mul3A_73, %dma_start3A_75] : memref<10240x16xf32, #tpu.memory_space<hbm>> -> memref<640x16xf32, #tpu.memory_space<hbm>>
        %dma_start3A_77 = arith.constant 0 : i32
        %dma_start3A_78 = tpu.memref_slice %arg19[%mul3A_64, %dma_start3A_77] : memref<10240x16xf32, #tpu.memory_space<vmem_shared>> -> memref<640x16xf32, #tpu.memory_space<vmem_shared>>
        tpu.enqueue_dma source(%dma_start3A_78 : memref<640x16xf32, #tpu.memory_space<vmem_shared>>) target(%dma_start3A_76 : memref<640x16xf32, #tpu.memory_space<hbm>>) target_semaphore(%run_scoped3A_74 : memref<!tpu.dma_semaphore, #tpu.memory_space<semaphore_mem>>)
        %dma_wait3A_79 = arith.constant 0 : i32
        %dma_wait3A_80 = tpu.memref_slice %arg6[%mul3A_73, %dma_wait3A_79] : memref<10240x16xf32, #tpu.memory_space<hbm>> -> memref<640x16xf32, #tpu.memory_space<hbm>>
        %dma_wait3A_81 = arith.constant 0 : i32
        %dma_wait3A_82 = tpu.memref_slice %arg19[%mul3A_64, %dma_wait3A_81] : memref<10240x16xf32, #tpu.memory_space<vmem_shared>> -> memref<640x16xf32, #tpu.memory_space<vmem_shared>>
        tpu.wait_dma2 semaphore(%run_scoped3A_74 : memref<!tpu.dma_semaphore, #tpu.memory_space<semaphore_mem>>) src(%dma_wait3A_82 : memref<640x16xf32, #tpu.memory_space<vmem_shared>>) dst(%dma_wait3A_80 : memref<640x16xf32, #tpu.memory_space<hbm>>)
        tpu.yield
      }) : () -> ()
    } else {
    }
    return
  }
}

#map = affine_map<(d0, d1) -> (0, 0)>
module attributes {stable_mosaic.version = 14 : i64} {
  func.func @k(%arg0: i32, %arg1: i32, %arg2: memref<2x160000xi32, #tpu.memory_space<hbm>>, %arg3: memref<1000x16xf32, #tpu.memory_space<hbm>>, %arg4: memref<640x16xf32, #tpu.memory_space<hbm>>, %arg5: memref<10240x16xf32, #tpu.memory_space<hbm>>, %arg6: memref<10240x16xf32, #tpu.memory_space<hbm>>, %arg7: memref<1000xi32, #tpu.memory_space<vmem>>, %arg8: memref<1000xi32, #tpu.memory_space<vmem>>, %arg9: memref<1000xi32, #tpu.memory_space<vmem>>, %arg10: memref<1000xi32, #tpu.memory_space<vmem>>, %arg11: memref<1000xi32, #tpu.memory_space<vmem>>, %arg12: memref<1000x16xf32, #tpu.memory_space<vmem>>, %arg13: memref<10240x16xf32, #tpu.memory_space<vmem_shared>>, %arg14: memref<!tpu.dma_semaphore, #tpu.memory_space<semaphore_mem>>, %arg15: memref<!tpu.dma_semaphore, #tpu.memory_space<semaphore_mem>>, %arg16: memref<!tpu.dma_semaphore, #tpu.memory_space<semaphore_mem>>, %arg17: memref<!tpu.dma_semaphore, #tpu.memory_space<semaphore_mem>>, %arg18: memref<!tpu.dma_semaphore, #tpu.memory_space<semaphore_mem>>) attributes {dimension_semantics = [#tpu.dimension_semantics<core_parallel>, #tpu.dimension_semantics<subcore_parallel>], iteration_bounds = array<i64: 2, 16>, scalar_prefetch = 0 : i64, scratch_operands = 12 : i64, tpu.core_type = #tpu.core_type<sc_vector_subcore>, window_params = [{transform_indices = #map}, {transform_indices = #map}, {transform_indices = #map}, {transform_indices = #map}, {transform_indices = #map}]} {
    %mul3A = arith.constant 16 : i32
    %mul3A_0 = arith.muli %arg0, %mul3A : i32
    %add3A = arith.addi %mul3A_0, %arg1 : i32
    %mul3A_1 = arith.constant 5000 : i32
    %mul3A_2 = arith.muli %add3A, %mul3A_1 : i32
    %add3A_3 = arith.constant 0 : i32
    %add3A_4 = arith.addi %mul3A_2, %add3A_3 : i32
    %run_scoped3A = arith.constant 1 : i32
    "tpu.region"() ({
      %run_scoped3A_57 = tpu.sem_alloc : memref<!tpu.dma_semaphore, #tpu.memory_space<semaphore_mem>>
      %dma_start3A_58 = tpu.memref_slice %arg2[%run_scoped3A, %add3A_4] : memref<2x160000xi32, #tpu.memory_space<hbm>> -> memref<1x1000xi32, #tpu.memory_space<hbm>>
      %dma_start3A_59 = tpu.memref_squeeze %dma_start3A_58 : memref<1x1000xi32, #tpu.memory_space<hbm>> -> memref<1000xi32, #tpu.memory_space<hbm>>
      %dma_start3A_60 = tpu.memref_slice %arg2[%run_scoped3A, %add3A_4] : memref<2x160000xi32, #tpu.memory_space<hbm>> -> memref<1x1000xi32, #tpu.memory_space<hbm>>
      %dma_start3A_61 = tpu.memref_squeeze %dma_start3A_60 : memref<1x1000xi32, #tpu.memory_space<hbm>> -> memref<1000xi32, #tpu.memory_space<hbm>>
      tpu.enqueue_dma source(%dma_start3A_61 : memref<1000xi32, #tpu.memory_space<hbm>>) target(%arg7 : memref<1000xi32, #tpu.memory_space<vmem>>) target_semaphore(%run_scoped3A_57 : memref<!tpu.dma_semaphore, #tpu.memory_space<semaphore_mem>>)
      %dma_wait3A_62 = tpu.memref_slice %arg2[%run_scoped3A, %add3A_4] : memref<2x160000xi32, #tpu.memory_space<hbm>> -> memref<1x1000xi32, #tpu.memory_space<hbm>>
      %dma_wait3A_63 = tpu.memref_squeeze %dma_wait3A_62 : memref<1x1000xi32, #tpu.memory_space<hbm>> -> memref<1000xi32, #tpu.memory_space<hbm>>
      %dma_wait3A_64 = tpu.memref_slice %arg2[%run_scoped3A, %add3A_4] : memref<2x160000xi32, #tpu.memory_space<hbm>> -> memref<1x1000xi32, #tpu.memory_space<hbm>>
      %dma_wait3A_65 = tpu.memref_squeeze %dma_wait3A_64 : memref<1x1000xi32, #tpu.memory_space<hbm>> -> memref<1000xi32, #tpu.memory_space<hbm>>
      tpu.wait_dma2 semaphore(%run_scoped3A_57 : memref<!tpu.dma_semaphore, #tpu.memory_space<semaphore_mem>>) src(%dma_wait3A_65 : memref<1000xi32, #tpu.memory_space<hbm>>) dst(%arg7 : memref<1000xi32, #tpu.memory_space<vmem>>)
      tpu.yield
    }) : () -> ()
    %add3A_5 = arith.constant 1000 : i32
    %add3A_6 = arith.addi %mul3A_2, %add3A_5 : i32
    %run_scoped3A_7 = arith.constant 1 : i32
    "tpu.region"() ({
      %run_scoped3A_57 = tpu.sem_alloc : memref<!tpu.dma_semaphore, #tpu.memory_space<semaphore_mem>>
      %dma_start3A_58 = tpu.memref_slice %arg2[%run_scoped3A_7, %add3A_6] : memref<2x160000xi32, #tpu.memory_space<hbm>> -> memref<1x1000xi32, #tpu.memory_space<hbm>>
      %dma_start3A_59 = tpu.memref_squeeze %dma_start3A_58 : memref<1x1000xi32, #tpu.memory_space<hbm>> -> memref<1000xi32, #tpu.memory_space<hbm>>
      %dma_start3A_60 = tpu.memref_slice %arg2[%run_scoped3A_7, %add3A_6] : memref<2x160000xi32, #tpu.memory_space<hbm>> -> memref<1x1000xi32, #tpu.memory_space<hbm>>
      %dma_start3A_61 = tpu.memref_squeeze %dma_start3A_60 : memref<1x1000xi32, #tpu.memory_space<hbm>> -> memref<1000xi32, #tpu.memory_space<hbm>>
      tpu.enqueue_dma source(%dma_start3A_61 : memref<1000xi32, #tpu.memory_space<hbm>>) target(%arg8 : memref<1000xi32, #tpu.memory_space<vmem>>) target_semaphore(%run_scoped3A_57 : memref<!tpu.dma_semaphore, #tpu.memory_space<semaphore_mem>>)
      %dma_wait3A_62 = tpu.memref_slice %arg2[%run_scoped3A_7, %add3A_6] : memref<2x160000xi32, #tpu.memory_space<hbm>> -> memref<1x1000xi32, #tpu.memory_space<hbm>>
      %dma_wait3A_63 = tpu.memref_squeeze %dma_wait3A_62 : memref<1x1000xi32, #tpu.memory_space<hbm>> -> memref<1000xi32, #tpu.memory_space<hbm>>
      %dma_wait3A_64 = tpu.memref_slice %arg2[%run_scoped3A_7, %add3A_6] : memref<2x160000xi32, #tpu.memory_space<hbm>> -> memref<1x1000xi32, #tpu.memory_space<hbm>>
      %dma_wait3A_65 = tpu.memref_squeeze %dma_wait3A_64 : memref<1x1000xi32, #tpu.memory_space<hbm>> -> memref<1000xi32, #tpu.memory_space<hbm>>
      tpu.wait_dma2 semaphore(%run_scoped3A_57 : memref<!tpu.dma_semaphore, #tpu.memory_space<semaphore_mem>>) src(%dma_wait3A_65 : memref<1000xi32, #tpu.memory_space<hbm>>) dst(%arg8 : memref<1000xi32, #tpu.memory_space<vmem>>)
      tpu.yield
    }) : () -> ()
    %add3A_8 = arith.constant 2000 : i32
    %add3A_9 = arith.addi %mul3A_2, %add3A_8 : i32
    %run_scoped3A_10 = arith.constant 1 : i32
    "tpu.region"() ({
      %run_scoped3A_57 = tpu.sem_alloc : memref<!tpu.dma_semaphore, #tpu.memory_space<semaphore_mem>>
      %dma_start3A_58 = tpu.memref_slice %arg2[%run_scoped3A_10, %add3A_9] : memref<2x160000xi32, #tpu.memory_space<hbm>> -> memref<1x1000xi32, #tpu.memory_space<hbm>>
      %dma_start3A_59 = tpu.memref_squeeze %dma_start3A_58 : memref<1x1000xi32, #tpu.memory_space<hbm>> -> memref<1000xi32, #tpu.memory_space<hbm>>
      %dma_start3A_60 = tpu.memref_slice %arg2[%run_scoped3A_10, %add3A_9] : memref<2x160000xi32, #tpu.memory_space<hbm>> -> memref<1x1000xi32, #tpu.memory_space<hbm>>
      %dma_start3A_61 = tpu.memref_squeeze %dma_start3A_60 : memref<1x1000xi32, #tpu.memory_space<hbm>> -> memref<1000xi32, #tpu.memory_space<hbm>>
      tpu.enqueue_dma source(%dma_start3A_61 : memref<1000xi32, #tpu.memory_space<hbm>>) target(%arg9 : memref<1000xi32, #tpu.memory_space<vmem>>) target_semaphore(%run_scoped3A_57 : memref<!tpu.dma_semaphore, #tpu.memory_space<semaphore_mem>>)
      %dma_wait3A_62 = tpu.memref_slice %arg2[%run_scoped3A_10, %add3A_9] : memref<2x160000xi32, #tpu.memory_space<hbm>> -> memref<1x1000xi32, #tpu.memory_space<hbm>>
      %dma_wait3A_63 = tpu.memref_squeeze %dma_wait3A_62 : memref<1x1000xi32, #tpu.memory_space<hbm>> -> memref<1000xi32, #tpu.memory_space<hbm>>
      %dma_wait3A_64 = tpu.memref_slice %arg2[%run_scoped3A_10, %add3A_9] : memref<2x160000xi32, #tpu.memory_space<hbm>> -> memref<1x1000xi32, #tpu.memory_space<hbm>>
      %dma_wait3A_65 = tpu.memref_squeeze %dma_wait3A_64 : memref<1x1000xi32, #tpu.memory_space<hbm>> -> memref<1000xi32, #tpu.memory_space<hbm>>
      tpu.wait_dma2 semaphore(%run_scoped3A_57 : memref<!tpu.dma_semaphore, #tpu.memory_space<semaphore_mem>>) src(%dma_wait3A_65 : memref<1000xi32, #tpu.memory_space<hbm>>) dst(%arg9 : memref<1000xi32, #tpu.memory_space<vmem>>)
      tpu.yield
    }) : () -> ()
    %add3A_11 = arith.constant 3000 : i32
    %add3A_12 = arith.addi %mul3A_2, %add3A_11 : i32
    %run_scoped3A_13 = arith.constant 1 : i32
    "tpu.region"() ({
      %run_scoped3A_57 = tpu.sem_alloc : memref<!tpu.dma_semaphore, #tpu.memory_space<semaphore_mem>>
      %dma_start3A_58 = tpu.memref_slice %arg2[%run_scoped3A_13, %add3A_12] : memref<2x160000xi32, #tpu.memory_space<hbm>> -> memref<1x1000xi32, #tpu.memory_space<hbm>>
      %dma_start3A_59 = tpu.memref_squeeze %dma_start3A_58 : memref<1x1000xi32, #tpu.memory_space<hbm>> -> memref<1000xi32, #tpu.memory_space<hbm>>
      %dma_start3A_60 = tpu.memref_slice %arg2[%run_scoped3A_13, %add3A_12] : memref<2x160000xi32, #tpu.memory_space<hbm>> -> memref<1x1000xi32, #tpu.memory_space<hbm>>
      %dma_start3A_61 = tpu.memref_squeeze %dma_start3A_60 : memref<1x1000xi32, #tpu.memory_space<hbm>> -> memref<1000xi32, #tpu.memory_space<hbm>>
      tpu.enqueue_dma source(%dma_start3A_61 : memref<1000xi32, #tpu.memory_space<hbm>>) target(%arg10 : memref<1000xi32, #tpu.memory_space<vmem>>) target_semaphore(%run_scoped3A_57 : memref<!tpu.dma_semaphore, #tpu.memory_space<semaphore_mem>>)
      %dma_wait3A_62 = tpu.memref_slice %arg2[%run_scoped3A_13, %add3A_12] : memref<2x160000xi32, #tpu.memory_space<hbm>> -> memref<1x1000xi32, #tpu.memory_space<hbm>>
      %dma_wait3A_63 = tpu.memref_squeeze %dma_wait3A_62 : memref<1x1000xi32, #tpu.memory_space<hbm>> -> memref<1000xi32, #tpu.memory_space<hbm>>
      %dma_wait3A_64 = tpu.memref_slice %arg2[%run_scoped3A_13, %add3A_12] : memref<2x160000xi32, #tpu.memory_space<hbm>> -> memref<1x1000xi32, #tpu.memory_space<hbm>>
      %dma_wait3A_65 = tpu.memref_squeeze %dma_wait3A_64 : memref<1x1000xi32, #tpu.memory_space<hbm>> -> memref<1000xi32, #tpu.memory_space<hbm>>
      tpu.wait_dma2 semaphore(%run_scoped3A_57 : memref<!tpu.dma_semaphore, #tpu.memory_space<semaphore_mem>>) src(%dma_wait3A_65 : memref<1000xi32, #tpu.memory_space<hbm>>) dst(%arg10 : memref<1000xi32, #tpu.memory_space<vmem>>)
      tpu.yield
    }) : () -> ()
    %add3A_14 = arith.constant 4000 : i32
    %add3A_15 = arith.addi %mul3A_2, %add3A_14 : i32
    %run_scoped3A_16 = arith.constant 1 : i32
    "tpu.region"() ({
      %run_scoped3A_57 = tpu.sem_alloc : memref<!tpu.dma_semaphore, #tpu.memory_space<semaphore_mem>>
      %dma_start3A_58 = tpu.memref_slice %arg2[%run_scoped3A_16, %add3A_15] : memref<2x160000xi32, #tpu.memory_space<hbm>> -> memref<1x1000xi32, #tpu.memory_space<hbm>>
      %dma_start3A_59 = tpu.memref_squeeze %dma_start3A_58 : memref<1x1000xi32, #tpu.memory_space<hbm>> -> memref<1000xi32, #tpu.memory_space<hbm>>
      %dma_start3A_60 = tpu.memref_slice %arg2[%run_scoped3A_16, %add3A_15] : memref<2x160000xi32, #tpu.memory_space<hbm>> -> memref<1x1000xi32, #tpu.memory_space<hbm>>
      %dma_start3A_61 = tpu.memref_squeeze %dma_start3A_60 : memref<1x1000xi32, #tpu.memory_space<hbm>> -> memref<1000xi32, #tpu.memory_space<hbm>>
      tpu.enqueue_dma source(%dma_start3A_61 : memref<1000xi32, #tpu.memory_space<hbm>>) target(%arg11 : memref<1000xi32, #tpu.memory_space<vmem>>) target_semaphore(%run_scoped3A_57 : memref<!tpu.dma_semaphore, #tpu.memory_space<semaphore_mem>>)
      %dma_wait3A_62 = tpu.memref_slice %arg2[%run_scoped3A_16, %add3A_15] : memref<2x160000xi32, #tpu.memory_space<hbm>> -> memref<1x1000xi32, #tpu.memory_space<hbm>>
      %dma_wait3A_63 = tpu.memref_squeeze %dma_wait3A_62 : memref<1x1000xi32, #tpu.memory_space<hbm>> -> memref<1000xi32, #tpu.memory_space<hbm>>
      %dma_wait3A_64 = tpu.memref_slice %arg2[%run_scoped3A_16, %add3A_15] : memref<2x160000xi32, #tpu.memory_space<hbm>> -> memref<1x1000xi32, #tpu.memory_space<hbm>>
      %dma_wait3A_65 = tpu.memref_squeeze %dma_wait3A_64 : memref<1x1000xi32, #tpu.memory_space<hbm>> -> memref<1000xi32, #tpu.memory_space<hbm>>
      tpu.wait_dma2 semaphore(%run_scoped3A_57 : memref<!tpu.dma_semaphore, #tpu.memory_space<semaphore_mem>>) src(%dma_wait3A_65 : memref<1000xi32, #tpu.memory_space<hbm>>) dst(%arg11 : memref<1000xi32, #tpu.memory_space<vmem>>)
      tpu.yield
    }) : () -> ()
    "tpu.region"() ({
      %run_scoped3A_57 = tpu.sem_alloc : memref<!tpu.dma_semaphore, #tpu.memory_space<semaphore_mem>>
      tpu.enqueue_dma source(%arg3 : memref<1000x16xf32, #tpu.memory_space<hbm>>) target(%arg12 : memref<1000x16xf32, #tpu.memory_space<vmem>>) target_semaphore(%run_scoped3A_57 : memref<!tpu.dma_semaphore, #tpu.memory_space<semaphore_mem>>)
      tpu.wait_dma2 semaphore(%run_scoped3A_57 : memref<!tpu.dma_semaphore, #tpu.memory_space<semaphore_mem>>) src(%arg3 : memref<1000x16xf32, #tpu.memory_space<hbm>>) dst(%arg12 : memref<1000x16xf32, #tpu.memory_space<vmem>>)
      tpu.yield
    }) : () -> ()
    %mul3A_17 = arith.constant 640 : i32
    %mul3A_18 = arith.muli %arg1, %mul3A_17 : i32
    "tpu.region"() ({
      %run_scoped3A_57 = tpu.sem_alloc : memref<!tpu.dma_semaphore, #tpu.memory_space<semaphore_mem>>
      %dma_start3A_58 = arith.constant 0 : i32
      %dma_start3A_59 = tpu.memref_slice %arg13[%mul3A_18, %dma_start3A_58] : memref<10240x16xf32, #tpu.memory_space<vmem_shared>> -> memref<640x16xf32, #tpu.memory_space<vmem_shared>>
      tpu.enqueue_dma source(%arg4 : memref<640x16xf32, #tpu.memory_space<hbm>>) target(%dma_start3A_59 : memref<640x16xf32, #tpu.memory_space<vmem_shared>>) target_semaphore(%run_scoped3A_57 : memref<!tpu.dma_semaphore, #tpu.memory_space<semaphore_mem>>)
      %dma_wait3A_60 = arith.constant 0 : i32
      %dma_wait3A_61 = tpu.memref_slice %arg13[%mul3A_18, %dma_wait3A_60] : memref<10240x16xf32, #tpu.memory_space<vmem_shared>> -> memref<640x16xf32, #tpu.memory_space<vmem_shared>>
      tpu.wait_dma2 semaphore(%run_scoped3A_57 : memref<!tpu.dma_semaphore, #tpu.memory_space<semaphore_mem>>) src(%arg4 : memref<640x16xf32, #tpu.memory_space<hbm>>) dst(%dma_wait3A_61 : memref<640x16xf32, #tpu.memory_space<vmem_shared>>)
      tpu.yield
    }) : () -> ()
    %barrier3A = arith.constant 0 : index
    tpu.barrier barrier_id(%barrier3A)
    %dma_start3A = arith.constant 0 : i32
    %dma_start3A_19 = arith.constant 0 : i32
    %dma_start3A_20 = tpu.memref_slice %arg13[%dma_start3A, %dma_start3A_19] : memref<10240x16xf32, #tpu.memory_space<vmem_shared>> -> memref<10240x16xf32, #tpu.memory_space<vmem_shared>>
    tpu.enqueue_indirect_dma source(%arg12 : memref<1000x16xf32, #tpu.memory_space<vmem>>) target(%dma_start3A_20 : memref<10240x16xf32, #tpu.memory_space<vmem_shared>>) offsets(%arg7 : memref<1000xi32, #tpu.memory_space<vmem>>) semaphore(%arg14 : memref<!tpu.dma_semaphore, #tpu.memory_space<semaphore_mem>>) {add = true}
    %dma_start3A_21 = arith.constant 0 : i32
    %dma_start3A_22 = arith.constant 0 : i32
    %dma_start3A_23 = tpu.memref_slice %arg13[%dma_start3A_21, %dma_start3A_22] : memref<10240x16xf32, #tpu.memory_space<vmem_shared>> -> memref<10240x16xf32, #tpu.memory_space<vmem_shared>>
    tpu.enqueue_indirect_dma source(%arg12 : memref<1000x16xf32, #tpu.memory_space<vmem>>) target(%dma_start3A_23 : memref<10240x16xf32, #tpu.memory_space<vmem_shared>>) offsets(%arg8 : memref<1000xi32, #tpu.memory_space<vmem>>) semaphore(%arg15 : memref<!tpu.dma_semaphore, #tpu.memory_space<semaphore_mem>>) {add = true}
    %dma_start3A_24 = arith.constant 0 : i32
    %dma_start3A_25 = arith.constant 0 : i32
    %dma_start3A_26 = tpu.memref_slice %arg13[%dma_start3A_24, %dma_start3A_25] : memref<10240x16xf32, #tpu.memory_space<vmem_shared>> -> memref<10240x16xf32, #tpu.memory_space<vmem_shared>>
    tpu.enqueue_indirect_dma source(%arg12 : memref<1000x16xf32, #tpu.memory_space<vmem>>) target(%dma_start3A_26 : memref<10240x16xf32, #tpu.memory_space<vmem_shared>>) offsets(%arg9 : memref<1000xi32, #tpu.memory_space<vmem>>) semaphore(%arg16 : memref<!tpu.dma_semaphore, #tpu.memory_space<semaphore_mem>>) {add = true}
    %dma_start3A_27 = arith.constant 0 : i32
    %dma_start3A_28 = arith.constant 0 : i32
    %dma_start3A_29 = tpu.memref_slice %arg13[%dma_start3A_27, %dma_start3A_28] : memref<10240x16xf32, #tpu.memory_space<vmem_shared>> -> memref<10240x16xf32, #tpu.memory_space<vmem_shared>>
    tpu.enqueue_indirect_dma source(%arg12 : memref<1000x16xf32, #tpu.memory_space<vmem>>) target(%dma_start3A_29 : memref<10240x16xf32, #tpu.memory_space<vmem_shared>>) offsets(%arg10 : memref<1000xi32, #tpu.memory_space<vmem>>) semaphore(%arg17 : memref<!tpu.dma_semaphore, #tpu.memory_space<semaphore_mem>>) {add = true}
    %dma_start3A_30 = arith.constant 0 : i32
    %dma_start3A_31 = arith.constant 0 : i32
    %dma_start3A_32 = tpu.memref_slice %arg13[%dma_start3A_30, %dma_start3A_31] : memref<10240x16xf32, #tpu.memory_space<vmem_shared>> -> memref<10240x16xf32, #tpu.memory_space<vmem_shared>>
    tpu.enqueue_indirect_dma source(%arg12 : memref<1000x16xf32, #tpu.memory_space<vmem>>) target(%dma_start3A_32 : memref<10240x16xf32, #tpu.memory_space<vmem_shared>>) offsets(%arg11 : memref<1000xi32, #tpu.memory_space<vmem>>) semaphore(%arg18 : memref<!tpu.dma_semaphore, #tpu.memory_space<semaphore_mem>>) {add = true}
    %dma_wait3A = arith.constant 0 : i32
    %dma_wait3A_33 = arith.constant 0 : i32
    %dma_wait3A_34 = tpu.memref_slice %arg13[%dma_wait3A, %dma_wait3A_33] : memref<10240x16xf32, #tpu.memory_space<vmem_shared>> -> memref<10240x16xf32, #tpu.memory_space<vmem_shared>>
    tpu.wait_indirect_dma semaphore(%arg14 : memref<!tpu.dma_semaphore, #tpu.memory_space<semaphore_mem>>) src(%arg12 : memref<1000x16xf32, #tpu.memory_space<vmem>>) dst(%dma_wait3A_34 : memref<10240x16xf32, #tpu.memory_space<vmem_shared>>)
    %dma_wait3A_35 = arith.constant 0 : i32
    %dma_wait3A_36 = arith.constant 0 : i32
    %dma_wait3A_37 = tpu.memref_slice %arg13[%dma_wait3A_35, %dma_wait3A_36] : memref<10240x16xf32, #tpu.memory_space<vmem_shared>> -> memref<10240x16xf32, #tpu.memory_space<vmem_shared>>
    tpu.wait_indirect_dma semaphore(%arg15 : memref<!tpu.dma_semaphore, #tpu.memory_space<semaphore_mem>>) src(%arg12 : memref<1000x16xf32, #tpu.memory_space<vmem>>) dst(%dma_wait3A_37 : memref<10240x16xf32, #tpu.memory_space<vmem_shared>>)
    %dma_wait3A_38 = arith.constant 0 : i32
    %dma_wait3A_39 = arith.constant 0 : i32
    %dma_wait3A_40 = tpu.memref_slice %arg13[%dma_wait3A_38, %dma_wait3A_39] : memref<10240x16xf32, #tpu.memory_space<vmem_shared>> -> memref<10240x16xf32, #tpu.memory_space<vmem_shared>>
    tpu.wait_indirect_dma semaphore(%arg16 : memref<!tpu.dma_semaphore, #tpu.memory_space<semaphore_mem>>) src(%arg12 : memref<1000x16xf32, #tpu.memory_space<vmem>>) dst(%dma_wait3A_40 : memref<10240x16xf32, #tpu.memory_space<vmem_shared>>)
    %dma_wait3A_41 = arith.constant 0 : i32
    %dma_wait3A_42 = arith.constant 0 : i32
    %dma_wait3A_43 = tpu.memref_slice %arg13[%dma_wait3A_41, %dma_wait3A_42] : memref<10240x16xf32, #tpu.memory_space<vmem_shared>> -> memref<10240x16xf32, #tpu.memory_space<vmem_shared>>
    tpu.wait_indirect_dma semaphore(%arg17 : memref<!tpu.dma_semaphore, #tpu.memory_space<semaphore_mem>>) src(%arg12 : memref<1000x16xf32, #tpu.memory_space<vmem>>) dst(%dma_wait3A_43 : memref<10240x16xf32, #tpu.memory_space<vmem_shared>>)
    %dma_wait3A_44 = arith.constant 0 : i32
    %dma_wait3A_45 = arith.constant 0 : i32
    %dma_wait3A_46 = tpu.memref_slice %arg13[%dma_wait3A_44, %dma_wait3A_45] : memref<10240x16xf32, #tpu.memory_space<vmem_shared>> -> memref<10240x16xf32, #tpu.memory_space<vmem_shared>>
    tpu.wait_indirect_dma semaphore(%arg18 : memref<!tpu.dma_semaphore, #tpu.memory_space<semaphore_mem>>) src(%arg12 : memref<1000x16xf32, #tpu.memory_space<vmem>>) dst(%dma_wait3A_46 : memref<10240x16xf32, #tpu.memory_space<vmem_shared>>)
    %barrier3A_47 = arith.constant 0 : index
    tpu.barrier barrier_id(%barrier3A_47)
    %mul3A_48 = arith.constant 640 : i32
    %mul3A_49 = arith.muli %arg1, %mul3A_48 : i32
    %eq3A = arith.constant 0 : i32
    %eq3A_50 = arith.cmpi eq, %arg0, %eq3A : i32
    %convert_element_type3A = arith.extui %eq3A_50 : i1 to i32
    %cond3A = arith.constant 0 : i32
    %cond3A_51 = arith.cmpi ne, %convert_element_type3A, %cond3A : i32
    scf.if %cond3A_51 {
      %mul3A_57 = arith.constant 640 : i32
      %mul3A_58 = arith.muli %arg1, %mul3A_57 : i32
      "tpu.region"() ({
        %run_scoped3A_59 = tpu.sem_alloc : memref<!tpu.dma_semaphore, #tpu.memory_space<semaphore_mem>>
        %dma_start3A_60 = arith.constant 0 : i32
        %dma_start3A_61 = tpu.memref_slice %arg5[%mul3A_58, %dma_start3A_60] : memref<10240x16xf32, #tpu.memory_space<hbm>> -> memref<640x16xf32, #tpu.memory_space<hbm>>
        %dma_start3A_62 = arith.constant 0 : i32
        %dma_start3A_63 = tpu.memref_slice %arg13[%mul3A_49, %dma_start3A_62] : memref<10240x16xf32, #tpu.memory_space<vmem_shared>> -> memref<640x16xf32, #tpu.memory_space<vmem_shared>>
        tpu.enqueue_dma source(%dma_start3A_63 : memref<640x16xf32, #tpu.memory_space<vmem_shared>>) target(%dma_start3A_61 : memref<640x16xf32, #tpu.memory_space<hbm>>) target_semaphore(%run_scoped3A_59 : memref<!tpu.dma_semaphore, #tpu.memory_space<semaphore_mem>>)
        %dma_wait3A_64 = arith.constant 0 : i32
        %dma_wait3A_65 = tpu.memref_slice %arg5[%mul3A_58, %dma_wait3A_64] : memref<10240x16xf32, #tpu.memory_space<hbm>> -> memref<640x16xf32, #tpu.memory_space<hbm>>
        %dma_wait3A_66 = arith.constant 0 : i32
        %dma_wait3A_67 = tpu.memref_slice %arg13[%mul3A_49, %dma_wait3A_66] : memref<10240x16xf32, #tpu.memory_space<vmem_shared>> -> memref<640x16xf32, #tpu.memory_space<vmem_shared>>
        tpu.wait_dma2 semaphore(%run_scoped3A_59 : memref<!tpu.dma_semaphore, #tpu.memory_space<semaphore_mem>>) src(%dma_wait3A_67 : memref<640x16xf32, #tpu.memory_space<vmem_shared>>) dst(%dma_wait3A_65 : memref<640x16xf32, #tpu.memory_space<hbm>>)
        tpu.yield
      }) : () -> ()
    } else {
    }
    %eq3A_52 = arith.constant 1 : i32
    %eq3A_53 = arith.cmpi eq, %arg0, %eq3A_52 : i32
    %convert_element_type3A_54 = arith.extui %eq3A_53 : i1 to i32
    %cond3A_55 = arith.constant 0 : i32
    %cond3A_56 = arith.cmpi ne, %convert_element_type3A_54, %cond3A_55 : i32
    scf.if %cond3A_56 {
      %mul3A_57 = arith.constant 640 : i32
      %mul3A_58 = arith.muli %arg1, %mul3A_57 : i32
      "tpu.region"() ({
        %run_scoped3A_59 = tpu.sem_alloc : memref<!tpu.dma_semaphore, #tpu.memory_space<semaphore_mem>>
        %dma_start3A_60 = arith.constant 0 : i32
        %dma_start3A_61 = tpu.memref_slice %arg6[%mul3A_58, %dma_start3A_60] : memref<10240x16xf32, #tpu.memory_space<hbm>> -> memref<640x16xf32, #tpu.memory_space<hbm>>
        %dma_start3A_62 = arith.constant 0 : i32
        %dma_start3A_63 = tpu.memref_slice %arg13[%mul3A_49, %dma_start3A_62] : memref<10240x16xf32, #tpu.memory_space<vmem_shared>> -> memref<640x16xf32, #tpu.memory_space<vmem_shared>>
        tpu.enqueue_dma source(%dma_start3A_63 : memref<640x16xf32, #tpu.memory_space<vmem_shared>>) target(%dma_start3A_61 : memref<640x16xf32, #tpu.memory_space<hbm>>) target_semaphore(%run_scoped3A_59 : memref<!tpu.dma_semaphore, #tpu.memory_space<semaphore_mem>>)
        %dma_wait3A_64 = arith.constant 0 : i32
        %dma_wait3A_65 = tpu.memref_slice %arg6[%mul3A_58, %dma_wait3A_64] : memref<10240x16xf32, #tpu.memory_space<hbm>> -> memref<640x16xf32, #tpu.memory_space<hbm>>
        %dma_wait3A_66 = arith.constant 0 : i32
        %dma_wait3A_67 = tpu.memref_slice %arg13[%mul3A_49, %dma_wait3A_66] : memref<10240x16xf32, #tpu.memory_space<vmem_shared>> -> memref<640x16xf32, #tpu.memory_space<vmem_shared>>
        tpu.wait_dma2 semaphore(%run_scoped3A_59 : memref<!tpu.dma_semaphore, #tpu.memory_space<semaphore_mem>>) src(%dma_wait3A_67 : memref<640x16xf32, #tpu.memory_space<vmem_shared>>) dst(%dma_wait3A_65 : memref<640x16xf32, #tpu.memory_space<hbm>>)
        tpu.yield
      }) : () -> ()
    } else {
    }
    return
  }
}

module attributes {stable_mosaic.version = 14 : i64} {
  func.func @_k_mm(%arg0: i32, %arg1: memref<2048x256xf32, #tpu.memory_space<vmem>>, %arg2: memref<256x16xf32, #tpu.memory_space<vmem>>, %arg3: memref<2048x16xf32, #tpu.memory_space<vmem>>) attributes {dimension_semantics = [#tpu.dimension_semantics<arbitrary>], iteration_bounds = array<i64: 5>, scalar_prefetch = 0 : i64, scratch_operands = 0 : i64, tpu.core_type = #tpu.core_type<tc>, window_params = [{transform_indices = @transform_0, window_bounds = array<i64: 2048, 256>}, {pipeline_mode = #tpu.pipeline_mode<synchronous>, transform_indices = @transform_1, window_bounds = array<i64: 256, 16>}, {transform_indices = @transform_2, window_bounds = array<i64: 2048, 16>}]} {
    %get3A = arith.constant 0 : index
    %get3A_0 = arith.constant 0 : index
    %get3A_1 = vector.load %arg1[%get3A, %get3A_0] : memref<2048x256xf32, #tpu.memory_space<vmem>>, vector<2048x256xf32>
    %get3A_2 = arith.constant 0 : index
    %get3A_3 = arith.constant 0 : index
    %get3A_4 = vector.load %arg2[%get3A_2, %get3A_3] : memref<256x16xf32, #tpu.memory_space<vmem>>, vector<256x16xf32>
    %dot_general3A = arith.constant dense<0.000000e+00> : vector<2048x16xf32>
    %dot_general3A_5 = tpu.matmul %get3A_1, %get3A_4, %dot_general3A {dimension_numbers = #tpu.dot_dimension_numbers<[1], [0], [0], [1], [0, 0, 1, 1], [], []>, transpose_lhs_hint = false} : vector<2048x256xf32>, vector<256x16xf32>, vector<2048x16xf32> -> vector<2048x16xf32>
    %swap3A = arith.constant 0 : index
    %swap3A_6 = arith.constant 0 : index
    %swap3A_7 = vector.load %arg3[%swap3A, %swap3A_6] : memref<2048x16xf32, #tpu.memory_space<vmem>>, vector<2048x16xf32>
    tpu.vector_store %arg3[%swap3A, %swap3A_6], %dot_general3A_5 {strides = array<i32>} : memref<2048x16xf32, #tpu.memory_space<vmem>>, vector<2048x16xf32>,
    return
  }
  func.func @transform_0(%arg0: i32) -> (i32, i32) {
    %c0_i32 = arith.constant 0 : i32
    %c0_i32_0 = arith.constant 0 : i32
    return %arg0, %c0_i32 : i32, i32
  }
  func.func @transform_1(%arg0: i32) -> (i32, i32) {
    %c0_i32 = arith.constant 0 : i32
    %c0_i32_0 = arith.constant 0 : i32
    %c0_i32_1 = arith.constant 0 : i32
    return %c0_i32, %c0_i32_0 : i32, i32
  }
  func.func @transform_2(%arg0: i32) -> (i32, i32) {
    %c0_i32 = arith.constant 0 : i32
    %c0_i32_0 = arith.constant 0 : i32
    return %arg0, %c0_i32 : i32, i32
  }
}

module attributes {stable_mosaic.version = 14 : i64} {
  func.func @_k2(%arg0: i32, %arg1: memref<256x128xf32, #tpu.memory_space<vmem>>, %arg2: memref<256x128xf32, #tpu.memory_space<vmem>>, %arg3: memref<256x128xf32, #tpu.memory_space<vmem>>, %arg4: memref<256x128xf32, #tpu.memory_space<vmem>>, %arg5: memref<256x128xf32, #tpu.memory_space<vmem>>) attributes {dimension_semantics = [#tpu.dimension_semantics<arbitrary>], iteration_bounds = array<i64: 5>, scalar_prefetch = 0 : i64, scratch_operands = 0 : i64, tpu.core_type = #tpu.core_type<tc>, window_params = [{transform_indices = @transform_0, window_bounds = array<i64: 256, 128>}, {transform_indices = @transform_1, window_bounds = array<i64: 256, 128>}, {transform_indices = @transform_2, window_bounds = array<i64: 256, 128>}, {transform_indices = @transform_3, window_bounds = array<i64: 256, 128>}, {transform_indices = @transform_4, window_bounds = array<i64: 256, 128>}]} {
    %get3A = arith.constant 0 : index
    %get3A_0 = arith.constant 0 : index
    %get3A_1 = vector.load %arg1[%get3A, %get3A_0] : memref<256x128xf32, #tpu.memory_space<vmem>>, vector<256x128xf32>
    %add3A = arith.constant 1.000000e+00 : f32
    %add3A_2 = vector.broadcast %add3A : f32 to vector<256x128xf32>
    %add3A_3 = arith.addf %add3A_2, %get3A_1 : vector<256x128xf32>
    %get3A_4 = arith.constant 0 : index
    %get3A_5 = arith.constant 0 : index
    %get3A_6 = vector.load %arg2[%get3A_4, %get3A_5] : memref<256x128xf32, #tpu.memory_space<vmem>>, vector<256x128xf32>
    %add3A_7 = arith.addf %add3A_3, %get3A_6 : vector<256x128xf32>
    %rsqrt3A = math.rsqrt %add3A_7 : vector<256x128xf32>
    %swap3A = arith.constant 0 : index
    %swap3A_8 = arith.constant 0 : index
    %swap3A_9 = vector.load %arg5[%swap3A, %swap3A_8] : memref<256x128xf32, #tpu.memory_space<vmem>>, vector<256x128xf32>
    tpu.vector_store %arg5[%swap3A, %swap3A_8], %rsqrt3A {strides = array<i32>} : memref<256x128xf32, #tpu.memory_space<vmem>>, vector<256x128xf32>,
    %get3A_10 = arith.constant 0 : index
    %get3A_11 = arith.constant 0 : index
    %get3A_12 = vector.load %arg3[%get3A_10, %get3A_11] : memref<256x128xf32, #tpu.memory_space<vmem>>, vector<256x128xf32>
    %mul3A = arith.mulf %get3A_12, %rsqrt3A : vector<256x128xf32>
    %swap3A_13 = arith.constant 0 : index
    %swap3A_14 = arith.constant 0 : index
    %swap3A_15 = vector.load %arg4[%swap3A_13, %swap3A_14] : memref<256x128xf32, #tpu.memory_space<vmem>>, vector<256x128xf32>
    tpu.vector_store %arg4[%swap3A_13, %swap3A_14], %mul3A {strides = array<i32>} : memref<256x128xf32, #tpu.memory_space<vmem>>, vector<256x128xf32>,
    return
  }
  func.func @transform_0(%arg0: i32) -> (i32, i32) {
    %c0_i32 = arith.constant 0 : i32
    %c0_i32_0 = arith.constant 0 : i32
    return %arg0, %c0_i32 : i32, i32
  }
  func.func @transform_1(%arg0: i32) -> (i32, i32) {
    %c0_i32 = arith.constant 0 : i32
    %c0_i32_0 = arith.constant 0 : i32
    return %arg0, %c0_i32 : i32, i32
  }
  func.func @transform_2(%arg0: i32) -> (i32, i32) {
    %c0_i32 = arith.constant 0 : i32
    %c0_i32_0 = arith.constant 0 : i32
    return %arg0, %c0_i32 : i32, i32
  }
  func.func @transform_3(%arg0: i32) -> (i32, i32) {
    %c0_i32 = arith.constant 0 : i32
    %c0_i32_0 = arith.constant 0 : i32
    return %arg0, %c0_i32 : i32, i32
  }
  func.func @transform_4(%arg0: i32) -> (i32, i32) {
    %c0_i32 = arith.constant 0 : i32
    %c0_i32_0 = arith.constant 0 : i32
    return %arg0, %c0_i32 : i32, i32
  }
}

module attributes {stable_mosaic.version = 14 : i64} {
  func.func @_k4(%arg0: i32, %arg1: memref<256x128xf32, #tpu.memory_space<vmem>>, %arg2: memref<256x128xf32, #tpu.memory_space<vmem>>, %arg3: memref<256x128xf32, #tpu.memory_space<vmem>>, %arg4: memref<256x128xf32, #tpu.memory_space<vmem>>, %arg5: memref<1x128xf32, #tpu.memory_space<vmem>>, %arg6: memref<256x128xf32, #tpu.memory_space<vmem>>) attributes {dimension_semantics = [#tpu.dimension_semantics<arbitrary>], iteration_bounds = array<i64: 5>, scalar_prefetch = 0 : i64, scratch_operands = 0 : i64, tpu.core_type = #tpu.core_type<tc>, window_params = [{transform_indices = @transform_0, window_bounds = array<i64: 256, 128>}, {transform_indices = @transform_1, window_bounds = array<i64: 256, 128>}, {transform_indices = @transform_2, window_bounds = array<i64: 256, 128>}, {transform_indices = @transform_3, window_bounds = array<i64: 256, 128>}, {pipeline_mode = #tpu.pipeline_mode<synchronous>, transform_indices = @transform_4, window_bounds = array<i64: 1, 128>}, {transform_indices = @transform_5, window_bounds = array<i64: 256, 128>}]} {
    %get3A = arith.constant 0 : index
    %get3A_0 = arith.constant 0 : index
    %get3A_1 = vector.load %arg1[%get3A, %get3A_0] : memref<256x128xf32, #tpu.memory_space<vmem>>, vector<256x128xf32>
    %get3A_2 = arith.constant 0 : index
    %get3A_3 = arith.constant 0 : index
    %get3A_4 = vector.load %arg2[%get3A_2, %get3A_3] : memref<256x128xf32, #tpu.memory_space<vmem>>, vector<256x128xf32>
    %add3A = arith.addf %get3A_1, %get3A_4 : vector<256x128xf32>
    %get3A_5 = arith.constant 0 : index
    %get3A_6 = arith.constant 0 : index
    %get3A_7 = vector.load %arg3[%get3A_5, %get3A_6] : memref<256x128xf32, #tpu.memory_space<vmem>>, vector<256x128xf32>
    %add3A_8 = arith.addf %add3A, %get3A_7 : vector<256x128xf32>
    %get3A_9 = arith.constant 0 : index
    %get3A_10 = arith.constant 0 : index
    %get3A_11 = vector.load %arg4[%get3A_9, %get3A_10] : memref<256x128xf32, #tpu.memory_space<vmem>>, vector<256x128xf32>
    %mul3A = arith.mulf %add3A_8, %get3A_11 : vector<256x128xf32>
    %get3A_12 = arith.constant 0 : index
    %get3A_13 = arith.constant 0 : index
    %get3A_14 = vector.load %arg5[%get3A_12, %get3A_13] : memref<1x128xf32, #tpu.memory_space<vmem>>, vector<1x128xf32>
    %add3A_15 = vector.broadcast %get3A_14 : vector<1x128xf32> to vector<256x128xf32>
    %add3A_16 = arith.addf %mul3A, %add3A_15 : vector<256x128xf32>
    %max3A = arith.constant 0.000000e+00 : f32
    %max3A_17 = vector.broadcast %max3A : f32 to vector<256x128xf32>
    %max3A_18 = arith.maximumf %add3A_16, %max3A_17 : vector<256x128xf32>
    %get3A_19 = arith.constant 0 : index
    %get3A_20 = arith.constant 0 : index
    %get3A_21 = vector.load %arg4[%get3A_19, %get3A_20] : memref<256x128xf32, #tpu.memory_space<vmem>>, vector<256x128xf32>
    %mul3A_22 = arith.mulf %max3A_18, %get3A_21 : vector<256x128xf32>
    %swap3A = arith.constant 0 : index
    %swap3A_23 = arith.constant 0 : index
    %swap3A_24 = vector.load %arg6[%swap3A, %swap3A_23] : memref<256x128xf32, #tpu.memory_space<vmem>>, vector<256x128xf32>
    tpu.vector_store %arg6[%swap3A, %swap3A_23], %mul3A_22 {strides = array<i32>} : memref<256x128xf32, #tpu.memory_space<vmem>>, vector<256x128xf32>,
    return
  }
  func.func @transform_0(%arg0: i32) -> (i32, i32) {
    %c0_i32 = arith.constant 0 : i32
    %c0_i32_0 = arith.constant 0 : i32
    return %arg0, %c0_i32 : i32, i32
  }
  func.func @transform_1(%arg0: i32) -> (i32, i32) {
    %c0_i32 = arith.constant 0 : i32
    %c0_i32_0 = arith.constant 0 : i32
    return %arg0, %c0_i32 : i32, i32
  }
  func.func @transform_2(%arg0: i32) -> (i32, i32) {
    %c0_i32 = arith.constant 0 : i32
    %c0_i32_0 = arith.constant 0 : i32
    return %arg0, %c0_i32 : i32, i32
  }
  func.func @transform_3(%arg0: i32) -> (i32, i32) {
    %c0_i32 = arith.constant 0 : i32
    %c0_i32_0 = arith.constant 0 : i32
    return %arg0, %c0_i32 : i32, i32
  }
  func.func @transform_4(%arg0: i32) -> (i32, i32) {
    %c0_i32 = arith.constant 0 : i32
    %c0_i32_0 = arith.constant 0 : i32
    %c0_i32_1 = arith.constant 0 : i32
    return %c0_i32, %c0_i32_0 : i32, i32
  }
  func.func @transform_5(%arg0: i32) -> (i32, i32) {
    %c0_i32 = arith.constant 0 : i32
    %c0_i32_0 = arith.constant 0 : i32
    return %arg0, %c0_i32 : i32, i32
  }
}

module attributes {stable_mosaic.version = 14 : i64} {
  func.func @_k6(%arg0: i32, %arg1: memref<256x128xf32, #tpu.memory_space<vmem>>, %arg2: memref<256x128xf32, #tpu.memory_space<vmem>>, %arg3: memref<256x128xf32, #tpu.memory_space<vmem>>, %arg4: memref<256x128xf32, #tpu.memory_space<vmem>>, %arg5: memref<128x16xf32, #tpu.memory_space<vmem>>, %arg6: memref<1x16xf32, #tpu.memory_space<vmem>>, %arg7: memref<256x16xf32, #tpu.memory_space<vmem>>) attributes {dimension_semantics = [#tpu.dimension_semantics<arbitrary>], iteration_bounds = array<i64: 5>, scalar_prefetch = 0 : i64, scratch_operands = 0 : i64, tpu.core_type = #tpu.core_type<tc>, window_params = [{transform_indices = @transform_0, window_bounds = array<i64: 256, 128>}, {transform_indices = @transform_1, window_bounds = array<i64: 256, 128>}, {transform_indices = @transform_2, window_bounds = array<i64: 256, 128>}, {transform_indices = @transform_3, window_bounds = array<i64: 256, 128>}, {pipeline_mode = #tpu.pipeline_mode<synchronous>, transform_indices = @transform_4, window_bounds = array<i64: 128, 16>}, {pipeline_mode = #tpu.pipeline_mode<synchronous>, transform_indices = @transform_5, window_bounds = array<i64: 1, 16>}, {transform_indices = @transform_6, window_bounds = array<i64: 256, 16>}]} {
    %get3A = arith.constant 0 : index
    %get3A_0 = arith.constant 0 : index
    %get3A_1 = vector.load %arg1[%get3A, %get3A_0] : memref<256x128xf32, #tpu.memory_space<vmem>>, vector<256x128xf32>
    %get3A_2 = arith.constant 0 : index
    %get3A_3 = arith.constant 0 : index
    %get3A_4 = vector.load %arg2[%get3A_2, %get3A_3] : memref<256x128xf32, #tpu.memory_space<vmem>>, vector<256x128xf32>
    %add3A = arith.addf %get3A_1, %get3A_4 : vector<256x128xf32>
    %get3A_5 = arith.constant 0 : index
    %get3A_6 = arith.constant 0 : index
    %get3A_7 = vector.load %arg3[%get3A_5, %get3A_6] : memref<256x128xf32, #tpu.memory_space<vmem>>, vector<256x128xf32>
    %add3A_8 = arith.addf %add3A, %get3A_7 : vector<256x128xf32>
    %get3A_9 = arith.constant 0 : index
    %get3A_10 = arith.constant 0 : index
    %get3A_11 = vector.load %arg4[%get3A_9, %get3A_10] : memref<256x128xf32, #tpu.memory_space<vmem>>, vector<256x128xf32>
    %mul3A = arith.mulf %add3A_8, %get3A_11 : vector<256x128xf32>
    %get3A_12 = arith.constant 0 : index
    %get3A_13 = arith.constant 0 : index
    %get3A_14 = vector.load %arg5[%get3A_12, %get3A_13] : memref<128x16xf32, #tpu.memory_space<vmem>>, vector<128x16xf32>
    %dot_general3A = arith.constant dense<0.000000e+00> : vector<256x16xf32>
    %dot_general3A_15 = tpu.matmul %mul3A, %get3A_14, %dot_general3A {dimension_numbers = #tpu.dot_dimension_numbers<[1], [0], [0], [1], [0, 0, 1, 1], [], []>, transpose_lhs_hint = false} : vector<256x128xf32>, vector<128x16xf32>, vector<256x16xf32> -> vector<256x16xf32>
    %get3A_16 = arith.constant 0 : index
    %get3A_17 = arith.constant 0 : index
    %get3A_18 = vector.load %arg6[%get3A_16, %get3A_17] : memref<1x16xf32, #tpu.memory_space<vmem>>, vector<1x16xf32>
    %add3A_19 = vector.broadcast %get3A_18 : vector<1x16xf32> to vector<256x16xf32>
    %add3A_20 = arith.addf %dot_general3A_15, %add3A_19 : vector<256x16xf32>
    %swap3A = arith.constant 0 : index
    %swap3A_21 = arith.constant 0 : index
    %swap3A_22 = vector.load %arg7[%swap3A, %swap3A_21] : memref<256x16xf32, #tpu.memory_space<vmem>>, vector<256x16xf32>
    tpu.vector_store %arg7[%swap3A, %swap3A_21], %add3A_20 {strides = array<i32>} : memref<256x16xf32, #tpu.memory_space<vmem>>, vector<256x16xf32>,
    return
  }
  func.func @transform_0(%arg0: i32) -> (i32, i32) {
    %c0_i32 = arith.constant 0 : i32
    %c0_i32_0 = arith.constant 0 : i32
    return %arg0, %c0_i32 : i32, i32
  }
  func.func @transform_1(%arg0: i32) -> (i32, i32) {
    %c0_i32 = arith.constant 0 : i32
    %c0_i32_0 = arith.constant 0 : i32
    return %arg0, %c0_i32 : i32, i32
  }
  func.func @transform_2(%arg0: i32) -> (i32, i32) {
    %c0_i32 = arith.constant 0 : i32
    %c0_i32_0 = arith.constant 0 : i32
    return %arg0, %c0_i32 : i32, i32
  }
  func.func @transform_3(%arg0: i32) -> (i32, i32) {
    %c0_i32 = arith.constant 0 : i32
    %c0_i32_0 = arith.constant 0 : i32
    return %arg0, %c0_i32 : i32, i32
  }
  func.func @transform_4(%arg0: i32) -> (i32, i32) {
    %c0_i32 = arith.constant 0 : i32
    %c0_i32_0 = arith.constant 0 : i32
    %c0_i32_1 = arith.constant 0 : i32
    return %c0_i32, %c0_i32_0 : i32, i32
  }
  func.func @transform_5(%arg0: i32) -> (i32, i32) {
    %c0_i32 = arith.constant 0 : i32
    %c0_i32_0 = arith.constant 0 : i32
    %c0_i32_1 = arith.constant 0 : i32
    return %c0_i32, %c0_i32_0 : i32, i32
  }
  func.func @transform_6(%arg0: i32) -> (i32, i32) {
    %c0_i32 = arith.constant 0 : i32
    %c0_i32_0 = arith.constant 0 : i32
    return %arg0, %c0_i32 : i32, i32
  }
}

</mosaic_0001>

<sc_bundles>
// kernel: kernel.12.cloned.1.call-start
scs
__scs_entry_jumppad:
0x0: {  	(pc) =	sbr.rel $0x88, $3  }
0x1: {  	(tag) =	ssettag $0x0;
	lr =	simm.s32 $0x1  }
0x2: {  	[smem:$0x3F9B] =	sst lr;
	_ =	strace $0xD0000000  }
0x3: {  	_ = 	snop  }
0x4: {  	_ = 	snop  }
0x5: {  	_ = 	snop  }
0x6: {  	_ = 	snop  }
0x7: {  	_ = 	snop  }
__scs_overlays_trampoline_lowered:
0x8: {  	[smem:$0x3FAA] =	sst s0  }
0x9: {  	[smem:$0x3FAB] =	sst s1  }
0xa: {  	[smem:$0x3FAC] =	sst s2  }
0xb: {  	[smem:$0x3FAD] =	sst s3  }
0xc: {  	[smem:$0x3FAE] =	sst s4  }
0xd: {  	[smem:$0x3FAF] =	sst s5  }
0xe: {  	[smem:$0x3FB0] =	sst s6  }
0xf: {  	[smem:$0x3FB1] =	sst s7  }
0x10: {  	[smem:$0x3FB2] =	sst s8  }
0x11: {  	[smem:$0x3FB3] =	sst s9;
	s0 =	simm.s32 @!p0 $0x0  }
0x12: {  	s1 =	sld [smem:$0x3F99];
	s0 =	simm.s32 @p0 $0x1  }
0x13: {  	[smem:$0x3FB4] =	sst s0;
	s0 =	simm.s32 @!p1 $0x0  }
0x14: {  	s2 =	sld [smem:$0x3F98];
	s0 =	simm.s32 @p1 $0x1  }
0x15: {  	[smem:$0x3FB5] =	sst s0;
	s0 =	simm.s32 @!p2 $0x0  }
0x16: {  	s3 =	sld [smem:$0x3FDB];
	s0 =	simm.s32 @p2 $0x1  }
0x17: {  	s4 =	simm.s32 $0x1BF5;
	[smem:$0x3FB7] =	sst s0  }
0x18: {  	s0 =	sld [smem:$0x3F9A];
	_ =	swait.ge [sflag:s4], $0x0  }
0x19: {  	s7 =	sld [smem:$0x3F9B]  }
0x1a: {  	s8 =	sadd.s32 $0xFFFFE003, lr  }
0x1b: {  	s9 =	sadd.s32 $0xFFFFFEF7, lr;
	s5 =	simm.s32 $0xFFFFFFFF;
	p2 =	slt.u32 s8, $0xFFFFF086  }
0x1c: {  	p1 =	slt.u32 s9, $0xF7A;
	s5 =	simm.s32 @!p2 $0x0  }
0x1d: {  	s5 =	simm.s32 @p1 $0x1;
	p0 =	seq.s32 s7, s2  }
0x1e: {  	s7 =	smul.u32 @!p0 $0xF7A, s2;
	p2 =	seq.s32 @!p0 s5, $0x0  }
0x1f: {  	s9 =	smul.u32 $0xF7A, s1;
	s8 =	simm.s32 @!p0 $0x1BF5;
	p2 =	por !p2, p0  }
0x20: {  	[sflag:s8] =	ssyncset.s32 @!p0 $0xFFFFF086;
	s6 =	sadd.s32 @!p0 s3, s7;
	s7 =	simm.s32 @!p0 $0x108  }
0x21: {  	s3 =	sadd.s32 s3, s9;
	s6 =	sadd.s32 @!p0 $0x88, s6;
	s7 =	simm.s32 @p2 $0x1082  }
0x22: {  	[simem:s7], [sflag:s8] =	dma.local @!p0 [hbm:s6], $0xF7A  }
0x23: {  	s9 =	sor.u32 $0xD0000000, s2;
	s6 =	simm.s32 $0x108;
	_ =	swait.ge @!p0 [sflag:s8], $0x0  }
0x24: {  	s3 =	sadd.s32 $0x88, s3;
	s6 =	simm.s32 @!p1 $0x1082;
	[sflag:s4] =	ssyncset.s32 $0xFFFFF086  }
0x25: {  	[simem:s6], [sflag:s4] =	dma.local [hbm:s3], $0xF7A  }
0x26: {  	[smem:$0x3F9B] =	sst s1;
	(tag) =	ssettag s2;
	_ =	strace s9  }
0x27: {  	s1 =	sld [smem:$0x3FAB]  }
0x28: {  	s2 =	sld [smem:$0x3FAC]  }
0x29: {  	s4 =	sld [smem:$0x3FAE]  }
0x2a: {  	p0 =	seq.s32 s5, $0x0;
	s5 =	sld [smem:$0x3FAF]  }
0x2b: {  	s6 =	sld [smem:$0x3FB0]  }
0x2c: {  	s7 =	sld [smem:$0x3FB1]  }
0x2d: {  	s3 =	simm.s32 $0x108;
	s8 =	sld [smem:$0x3FB2]  }
0x2e: {  	s3 =	simm.s32 @!p0 $0x1082;
	s9 =	sld [smem:$0x3FB3]  }
0x2f: {  	lr =	sadd.s32 s0, s3;
	s0 =	sld [smem:$0x3FAA]  }
0x30: {  	s3 =	sld [smem:$0x3FAD]  }
0x31: {  	[smem:$0x3FB6] =	sst s10  }
0x32: {  	s10 =	sld [smem:$0x3FB4];
	_ =	sdelay $0x3  }
0x33: {  	p0 =	seq.s32 s10, $0x1;
	s10 =	sld [smem:$0x3FB6];
	_ =	sdelay $0x3  }
0x34: {  	[smem:$0x3FB6] =	sst s10  }
0x35: {  	s10 =	sld [smem:$0x3FB5];
	_ =	sdelay $0x3  }
0x36: {  	p1 =	seq.s32 s10, $0x1;
	s10 =	sld [smem:$0x3FB6];
	_ =	sdelay $0x3  }
0x37: {  	[smem:$0x3FB6] =	sst s10  }
0x38: {  	s10 =	sld [smem:$0x3FB7]  }
0x39: {  	_ = 	snop;
	(pc) =	sbr.ind lr, $3  }
0x3a: {  	_ = 	snop  }
0x3b: {  	_ = 	snop  }
0x3c: {  	p2 =	seq.s32 s10, $0x1;
	s10 =	sld [smem:$0x3FB6]  }
0x3d: {  	_ =	shalt  }
0x3e: {  	_ =	shalt  }
0x3f: {  	_ =	shalt  }
0x40: {  	_ =	shalt  }
0x41: {  	_ =	shalt  }
0x42: {  	_ =	shalt  }
0x43: {  	_ =	shalt  }
0x44: {  	_ =	shalt  }
0x45: {  	_ =	shalt  }
0x46: {  	_ =	shalt  }
0x47: {  	_ =	shalt  }
0x48: {  	_ =	shalt  }
0x49: {  	_ =	shalt  }
0x4a: {  	_ =	shalt  }
0x4b: {  	_ =	shalt  }
0x4c: {  	_ =	shalt  }
0x4d: {  	_ =	shalt  }
0x4e: {  	_ =	shalt  }
0x4f: {  	_ =	shalt  }
0x50: {  	_ =	shalt  }
0x51: {  	_ =	shalt  }
0x52: {  	_ =	shalt  }
0x53: {  	_ =	shalt  }
0x54: {  	_ =	shalt  }
0x55: {  	_ =	shalt  }
0x56: {  	_ =	shalt  }
0x57: {  	_ =	shalt  }
0x58: {  	_ =	shalt  }
0x59: {  	_ =	shalt  }
0x5a: {  	_ =	shalt  }
0x5b: {  	_ =	shalt  }
0x5c: {  	_ =	shalt  }
0x5d: {  	_ =	shalt  }
0x5e: {  	_ =	shalt  }
0x5f: {  	_ =	shalt  }
0x60: {  	_ =	shalt  }
0x61: {  	_ =	shalt  }
0x62: {  	_ =	shalt  }
0x63: {  	_ =	shalt  }
0x64: {  	_ =	shalt  }
0x65: {  	_ =	shalt  }
0x66: {  	_ =	shalt  }
0x67: {  	_ =	shalt  }
0x68: {  	_ =	shalt  }
0x69: {  	_ =	shalt  }
0x6a: {  	_ =	shalt  }
0x6b: {  	_ =	shalt  }
0x6c: {  	_ =	shalt  }
0x6d: {  	_ =	shalt  }
0x6e: {  	_ =	shalt  }
0x6f: {  	_ =	shalt  }
0x70: {  	_ =	shalt  }
0x71: {  	_ =	shalt  }
0x72: {  	_ =	shalt  }
0x73: {  	_ =	shalt  }
0x74: {  	_ =	shalt  }
0x75: {  	_ =	shalt  }
0x76: {  	_ =	shalt  }
0x77: {  	_ =	shalt  }
0x78: {  	_ =	shalt  }
0x79: {  	_ =	shalt  }
0x7a: {  	_ =	shalt  }
0x7b: {  	_ =	shalt  }
0x7c: {  	_ =	shalt  }
0x7d: {  	_ =	shalt  }
0x7e: {  	_ =	shalt  }
0x7f: {  	_ =	shalt  }
0x80: {  	_ =	shalt  }
0x81: {  	_ =	shalt  }
0x82: {  	_ =	shalt  }
0x83: {  	_ =	shalt  }
0x84: {  	_ =	shalt  }
0x85: {  	_ =	shalt  }
0x86: {  	_ =	shalt  }
0x87: {  	_ =	shalt  }
.Lfunc_end0:
.L_simem_size_0:
called_computation.1_lowered:
.L_overlay_start_0:
0x88: {  	s2 =	sld [smem:$0x3FD9]  }
0x89: {  	s3 =	sld [smem:$0x3FFE];
	_ =	sdelay $0x1  }
0x8a: {  	s1 =	srdreg.scid  }
0x8b: {  	s0 =	sand.u32 $0x1, s1  }
0x8c: {  	s16 =	sshll.u32 s0, $0xA;
	s2 =	sadd.s32 s3, s2  }
0x8d: {  	s2 =	sadd.s32 s2, s16  }
0x8e: {  	[smem:$0x3FC2] =	sst s2  }
0x8f: {  	_ = 	snop  }
0x90: {  	(tm) =	ssettm $0x1  }
0x91: {  	s17 =	sld [smem:$0x3FFB];
	_ =	sdelay $0x3  }
0x92: {  	_ =	strace s17  }
0x93: {  	s2 =	sld [smem:$0x3FFC];
	_ =	sdelay $0x3  }
0x94: {  	_ =	strace s2  }
0x95: {  	s2 =	sld [smem:$0x3FFD];
	_ =	sdelay $0x3  }
0x96: {  	_ =	strace s2  }
0x97: {  	_ =	strace $0x8FFFFFFF  }
0x98: {  	s18 =	sld [smem:$0x3FDB];
	_ =	sdelay $0x1  }
0x99: {  	s19 =	simm.s32 $_scs_section_size  }
0x9a: {  	s4 =	simm.s32 $_size__tile_overlayer_lowered;
	s5 =	simm.s32 $_tile_overlayer_lowered  }
0x9b: {  	s22 =	simm.s32 $0x1BFF;
	s21 =	sshll.u32 s5, $0x1;
	s2 =	sadd.s32 s19, s18  }
0x9c: {  	s6 =	simm.s32 $0x0;
	s20 =	sshll.u32 s4, $0x1;
	s4 =	sadd.s32 s21, s2  }
0x9d: {  	[timem:s6], [sflag:s22] =	dma.local [hbm:s4], s20  }
0x9e: {  	_ =	swait.ge [sflag:s22], s20  }
0x9f: {  	s3 =	ssub.s32 $0x0, s20;
	[sflag:s22] =	ssyncset.done $0x0  }
0xa0: {  	[sflag:s22] =	ssyncadd.s32 s3;
	_ =	sdelay $0x1  }
0xa1: {  	s23 =	simm.s32 $0x1B8B  }
0xa2: {  	_ =	swait.ge [sflag:s23], $0x1  }
0xa3: {  	[sflag:s23] =	ssyncset.done $0x0  }
0xa4: {  	s25 =	simm.s32 $0x1B8E;
	s24 =	sld [smem:$0x3FFE];
	[sflag:s23] =	ssyncadd.s32 $0xFFFFFFFF  }
0xa5: {  	s26 =	simm.s32 $execute0_lowered;
	[smem:$0x3FD2] =	sst s25  }
0xa6: {  	s4 =	sshll.u32 s26, $0x1;
	_ =	strace $0x80000049;
	[dreg:$0x1] =	wrdreg $0xFFFFFFFF  }
0xa7: {  	s28 =	simm.s32 $_size_execute0_lowered;
	s2 =	sadd.s32 s2, s4;
	[dreg:$0x0] =	wrdreg $0x0  }
0xa8: {  	s4 =	sshll.u32 s28, $0x1;
	[dreg:$0x2] =	wrdreg s2  }
0xa9: {  	[dreg:$0x3] =	wrdreg s4  }
0xaa: {  	[dreg:$0x4] =	wrdreg $0xC0  }
0xab: {  	_ =	task [dreg:s6], $0x5FFFF  }
0xac: {  	[dreg:$0x1] =	wrdreg $0xFFFFFFFF  }
0xad: {  	[dreg:$0x0] =	wrdreg $0x60  }
0xae: {  	[dreg:$0x2] =	wrdreg s24  }
0xaf: {  	[dreg:$0x3] =	wrdreg $0xA4100  }
0xb0: {  	[dreg:$0x4] =	wrdreg $0x9  }
0xb1: {  	_ =	task.clear_ibuf [dreg:s6], $0x5FFFF;
	_ =	strace $0x90000049  }
0xb2: {  	s29 =	simm.s32 $0x9;
	_ =	strace $0x8000004B  }
0xb3: {  	_ =	swait.ge [sflag:s29], $0x1  }
0xb4: {  	[sflag:s29] =	ssyncadd.s32 $0xFFFFFFFF  }
0xb5: {  	_ =	strace $0x9000004B  }
0xb6: {  	_ =	sfence  }
0xb7: {  	s30 =	sld [smem:$0x0];
	_ =	sdelay $0x2  }
0xb8: {  	s31 =	sshll.u32 s1, $0xD;
	s1 =	sshrl.u32 s1, $0x2  }
0xb9: {  	s3 =	sand.u32 $0x4000, s31;
	s1 =	sadd.s32 s1, s30  }
0xba: {  	s0 =	sor.u32 s3, s0;
	s1 =	sshll.u32 s1, $0x11  }
0xbb: {  	s0 =	sor.u32 s1, s0  }
0xbc: {  	s0 =	sadd.s32 $0x8F2B, s0  }
0xbd: {  	[sflag:s0] =	ssyncadd.remote.s32 $0x1  }
0xbe: {  	_ =	sfence.sel $0xFFFF  }
0xbf: {  	[dreg:$0x0] =	wrdreg $0xFFFFFFFF;
	(pc) =	sbr.abs _section_cstart, $3  }
0xc0: {  	[dreg:$0x1] =	wrdreg $0xFFFFFFFF  }
0xc1: {  	_ =	task.clear_ibuf [dreg:s6], $0x2FFFF;
	_ =	strace $0x9FFFFFFF  }
0xc2: {  	(tm) =	ssettm $0x7FFFFFFF  }
0xc3: {  	_ =	shalt  }
tec
execute0_lowered:
.L_overlay_start_1:
0x0: {  	(tag) =	ssettag $0x1  }
0x1: {  	s0 =	srdreg.scid  }
0x2: {  	s30 =	sand.u32 $0x1, s0  }
0x3: {  	s22 =	stileid.u32;
	s4 =	sshll.u32 s30, $0x4  }
0x4: {  	s29 =	rddreg [dreg:$0x0];
	s4 =	sor.u32 s22, s4  }
0x5: {  	s2 =	rddreg [dreg:$0x1];
	s3 =	simm.s32 $0x0;
	s15 =	smul.u32 $0x1388, s4  }
0x6: {  	[smem:$0x7FF] =	sst s3;
	s16 =	sadd.s32 $0x3800, s29  }
0x7: {  	s23 =	sadd.s32 $0xD600, s29;
	_ =	strace $0x8000004A;
	s5 =	sshrl.u32 s15, $0x3  }
0x8: {  	[dreg:$0x3] =	wrdreg s23;
	s24 =	sadd.s32 $0x3E8, s15;
	s4 =	sadd.s32 s16, s5  }
0x9: {  	s7 =	sadd.s32 $0x274E8, s15;
	s5 =	sshrl.u32 s24, $0x3;
	s6 =	sadd.s32 $0x4E20, s4  }
0xa: {  	[tilespmem:s3], [sflag:$0x3] =	stream.linear.gather [hbm4b:s4+s3], $0x3E8, $0x38;
	[tilespmem:$0xCC10] =	vst v63  }
0xb: {  	s25 =	sshrl.u32 s7, $0x3;
	s5 =	sadd.s32 s16, s5;
	[dreg:$0x4] =	wrdreg s6  }
0xc: {  	s26 =	sadd.s32 s16, s25;
	[dreg:$0x5] =	wrdreg s5  }
0xd: {  	[dreg:$0x6] =	wrdreg s26;
	s5 =	simm.s32 $0x3  }
0xe: {  	_ =	swait.ge [sflag:s5], $0x3E8  }
0xf: {  	[sflag:s5] =	ssyncset.done $0x0  }
0x10: {  	s6 =	simm.s32 $0x1388;
	s31 =	rddreg [dreg:$0x4];
	[sflag:s5] =	ssyncadd.s32 $0xFFFFFC18  }
0x11: {  	[tilespmem:s6], [sflag:$0x3] =	stream.linear.gather [hbm4b:s31+s3], $0x3E8, $0x38;
	[tilespmem:$0xCC10] =	vst v63  }
0x12: {  	_ =	swait.ge [sflag:s5], $0x3E8  }
0x13: {  	[sflag:s5] =	ssyncset.done $0x0  }
0x14: {  	s7 =	simm.s32 $0x3E8;
	s8 =	rddreg [dreg:$0x5];
	[sflag:s5] =	ssyncadd.s32 $0xFFFFFC18  }
0x15: {  	[tilespmem:s7], [sflag:$0x3] =	stream.linear.gather [hbm4b:s8+s3], $0x3E8, $0x38;
	[tilespmem:$0xCC10] =	vst v63  }
0x16: {  	_ =	swait.ge [sflag:s5], $0x3E8  }
0x17: {  	[sflag:s5] =	ssyncset.done $0x0  }
0x18: {  	s8 =	simm.s32 $0x1770;
	s9 =	rddreg [dreg:$0x6];
	[sflag:s5] =	ssyncadd.s32 $0xFFFFFC18  }
0x19: {  	[tilespmem:s8], [sflag:$0x3] =	stream.linear.gather [hbm4b:s9+s3], $0x3E8, $0x38;
	[tilespmem:$0xCC10] =	vst v63  }
0x1a: {  	_ =	swait.ge [sflag:s5], $0x3E8  }
0x1b: {  	[sflag:s5] =	ssyncset.done $0x0  }
0x1c: {  	s10 =	simm.s32 $0x7D0;
	s9 =	sadd.s32 $0xFA, s4;
	[sflag:s5] =	ssyncadd.s32 $0xFFFFFC18  }
0x1d: {  	[tilespmem:s10], [sflag:$0x3] =	stream.linear.gather [hbm4b:s9+s3], $0x3E8, $0x38;
	[tilespmem:$0xCC10] =	vst v63  }
0x1e: {  	_ =	swait.ge [sflag:s5], $0x3E8  }
0x1f: {  	[sflag:s5] =	ssyncset.done $0x0  }
0x20: {  	s12 =	simm.s32 $0x1B58;
	s11 =	sadd.s32 $0x4F1A, s4;
	[sflag:s5] =	ssyncadd.s32 $0xFFFFFC18  }
0x21: {  	[tilespmem:s12], [sflag:$0x3] =	stream.linear.gather [hbm4b:s11+s3], $0x3E8, $0x38;
	[tilespmem:$0xCC10] =	vst v63  }
0x22: {  	s13 =	sadd.s32 $0xBB8, s15;
	_ =	swait.ge [sflag:s5], $0x3E8  }
0x23: {  	s13 =	sshrl.u32 s13, $0x3;
	[sflag:s5] =	ssyncset.done $0x0  }
0x24: {  	s14 =	simm.s32 $0xBB8;
	s13 =	sadd.s32 s16, s13;
	[sflag:s5] =	ssyncadd.s32 $0xFFFFFC18  }
0x25: {  	[tilespmem:s14], [sflag:$0x3] =	stream.linear.gather [hbm4b:s13+s3], $0x3E8, $0x38;
	[tilespmem:$0xCC10] =	vst v63  }
0x26: {  	s15 =	sadd.s32 $0x27CB8, s15;
	_ =	swait.ge [sflag:s5], $0x3E8  }
0x27: {  	s15 =	sshrl.u32 s15, $0x3;
	[sflag:s5] =	ssyncset.done $0x0  }
0x28: {  	s15 =	sadd.s32 s16, s15;
	s16 =	simm.s32 $0x1F40;
	[sflag:s5] =	ssyncadd.s32 $0xFFFFFC18  }
0x29: {  	[tilespmem:s16], [sflag:$0x3] =	stream.linear.gather [hbm4b:s15+s3], $0x3E8, $0x38;
	[tilespmem:$0xCC10] =	vst v63  }
0x2a: {  	_ =	swait.ge [sflag:s5], $0x3E8  }
0x2b: {  	[sflag:s5] =	ssyncset.done $0x0  }
0x2c: {  	s18 =	simm.s32 $0xFA0;
	s17 =	sadd.s32 $0x1F4, s4;
	[sflag:s5] =	ssyncadd.s32 $0xFFFFFC18  }
0x2d: {  	[tilespmem:s18], [sflag:$0x3] =	stream.linear.gather [hbm4b:s17+s3], $0x3E8, $0x38;
	[tilespmem:$0xCC10] =	vst v63  }
0x2e: {  	_ =	swait.ge [sflag:s5], $0x3E8  }
0x2f: {  	s20 =	simm.s32 $0x2328;
	[sflag:s5] =	ssyncset.done $0x0  }
0x30: {  	s19 =	sadd.s32 $0x5014, s4;
	s31 =	smul.u32 $0x2800, s22;
	[sflag:s5] =	ssyncadd.s32 $0xFFFFFC18  }
0x31: {  	[tilespmem:s20], [sflag:$0x3] =	stream.linear.gather [hbm4b:s19+s3], $0x3E8, $0x38;
	[tilespmem:$0xCC10] =	vst v63  }
0x32: {  	s22 =	sshll.u32 s22, $0x6;
	_ =	swait.ge [sflag:s5], $0x3E8  }
0x33: {  	s22 =	sor.u32 $0x1C03, s22;
	s21 =	sadd.s32 s31, s2;
	[sflag:s5] =	ssyncset.done $0x0  }
0x34: {  	s21 =	sshrl.u32 s21, $0x3;
	s23 =	rddreg [dreg:$0x3];
	[sflag:s5] =	ssyncadd.s32 $0xFFFFFC18  }
0x35: {  	[spmem:s21], [sflag:s22] =	dma.local [hbm:s23], $0x500  }
0x36: {  	_ =	swait.ge [sflag:s5], $0x500  }
0x37: {  	[sflag:s5] =	ssyncset.done $0x0  }
0x38: {  	[sflag:s5] =	ssyncadd.s32 $0xFFFFFB00  }
0x39: {  	s24 =	simm.s32 $0x2710;
	s23 =	sadd.s32 $0xDC00, s29;
	[bflag:$0x0] =	sbarrier.arrive $0xFFFF  }
0x3a: {  	[tilespmem:s24], [sflag:$0x1] =	stream.indirect.gather [hbm4b:s23+s7], $0x10, s3, s7, $0xb8;
	[tilespmem:$0xCC10] =	vst v63  }
0x3b: {  	s25 =	simm.s32 $0x6590;
	s26 =	simm.s32 $0x1  }
0x3c: {  	[tilespmem:s25], [sflag:$0x2] =	stream.indirect.gather [hbm4b:s23+s7], $0x10, s7, s7, $0xb8;
	[tilespmem:$0xCC10] =	vst v63  }
0x3d: {  	_ =	swait.ge [sflag:s26], $0x3E80  }
0x3e: {  	[sflag:s26] =	ssyncset.done $0x0  }
0x3f: {  	[sflag:s26] =	ssyncadd.s32 $0xFFFFC180  }
0x40: {  	[spmem:s2] =	stream.indirect.scatter.add.f32 [tilespmem:s24], [sflag:$0x3], $0x10, s6, s7, $0xb8;
	[tilespmem:$0xCC10] =	vst v63  }
0x41: {  	_ =	swait.ge [sflag:s5], $0x3E80  }
0x42: {  	[sflag:s5] =	ssyncset.done $0x0  }
0x43: {  	s28 =	simm.s32 $0x2;
	[sflag:s5] =	ssyncadd.s32 $0xFFFFC180  }
0x44: {  	[tilespmem:s24], [sflag:$0x1] =	stream.indirect.gather [hbm4b:s23+s7], $0x10, s10, s7, $0xb8;
	[tilespmem:$0xCC10] =	vst v63  }
0x45: {  	_ =	swait.ge [sflag:s28], $0x3E80  }
0x46: {  	[sflag:s28] =	ssyncset.done $0x0  }
0x47: {  	[sflag:s28] =	ssyncadd.s32 $0xFFFFC180  }
0x48: {  	[spmem:s2] =	stream.indirect.scatter.add.f32 [tilespmem:s25], [sflag:$0x3], $0x10, s8, s7, $0xb8;
	[tilespmem:$0xCC10] =	vst v63  }
0x49: {  	_ =	swait.ge [sflag:s5], $0x3E80  }
0x4a: {  	[sflag:s5] =	ssyncset.done $0x0  }
0x4b: {  	[sflag:s5] =	ssyncadd.s32 $0xFFFFC180  }
0x4c: {  	[tilespmem:s25], [sflag:$0x2] =	stream.indirect.gather [hbm4b:s23+s7], $0x10, s14, s7, $0xb8;
	[tilespmem:$0xCC10] =	vst v63  }
0x4d: {  	_ =	swait.ge [sflag:s26], $0x3E80  }
0x4e: {  	[sflag:s26] =	ssyncset.done $0x0  }
0x4f: {  	[sflag:s26] =	ssyncadd.s32 $0xFFFFC180  }
0x50: {  	[spmem:s2] =	stream.indirect.scatter.add.f32 [tilespmem:s24], [sflag:$0x3], $0x10, s12, s7, $0xb8;
	[tilespmem:$0xCC10] =	vst v63  }
0x51: {  	_ =	swait.ge [sflag:s5], $0x3E80  }
0x52: {  	[sflag:s5] =	ssyncset.done $0x0  }
0x53: {  	[sflag:s5] =	ssyncadd.s32 $0xFFFFC180  }
0x54: {  	[tilespmem:s24], [sflag:$0x1] =	stream.indirect.gather [hbm4b:s23+s7], $0x10, s18, s7, $0xb8;
	[tilespmem:$0xCC10] =	vst v63  }
0x55: {  	_ =	swait.ge [sflag:s28], $0x3E80  }
0x56: {  	[sflag:s28] =	ssyncset.done $0x0  }
0x57: {  	[sflag:s28] =	ssyncadd.s32 $0xFFFFC180  }
0x58: {  	[spmem:s2] =	stream.indirect.scatter.add.f32 [tilespmem:s25], [sflag:$0x3], $0x10, s16, s7, $0xb8;
	[tilespmem:$0xCC10] =	vst v63  }
0x59: {  	_ =	swait.ge [sflag:s5], $0x3E80  }
0x5a: {  	[sflag:s5] =	ssyncset.done $0x0  }
0x5b: {  	[sflag:s5] =	ssyncadd.s32 $0xFFFFC180  }
0x5c: {  	p0 =	seq.s32 s30, $0x1;
	s30 =	ssub.s32 $0x2, s30;
	_ =	swait.ge [sflag:s26], $0x3E80  }
0x5d: {  	s0 =	sshrl.u32 s30, $0x1;
	[sflag:s26] =	ssyncset.done $0x0  }
0x5e: {  	s1 =	simm.s32 $0x17C00;
	s0 =	ssub.s32 s30, s0;
	[sflag:s26] =	ssyncadd.s32 $0xFFFFC180  }
0x5f: {  	[spmem:s2] =	stream.indirect.scatter.add.f32 [tilespmem:s24], [sflag:$0x3], $0x10, s20, s7, $0xb8;
	[tilespmem:$0xCC10] =	vst v63  }
0x60: {  	s1 =	simm.s32 @!p0 $0x12C00;
	s0 =	smax.u32 s0, $0x1;
	_ =	swait.ge [sflag:s5], $0x3E80  }
0x61: {  	s1 =	sadd.s32 s1, s29;
	p0 =	sne.s32 s0, $0x1;
	[sflag:s5] =	ssyncset.done $0x0  }
.Ltmp0:
0x62: {  	s29 =	sshrl.u32 s31, $0x3;
	[sflag:s5] =	ssyncadd.s32 $0xFFFFC180;
	(pc) =	sbr.rel @!p0 .LBB2_2-.Ltmp0, $4  }
0x63: {  	s29 =	sadd.s32 s1, s29;
	[bflag:$0x0] =	sbarrier.arrive $0xFFFF  }
0x64: {  	[hbm:s29], [sflag:s22] =	dma.local [spmem:s21], $0x500  }
0x65: {  	_ =	swait.ge [sflag:s5], $0x500  }
0x66: {  	s30 =	sadd.s32 $0xFFFFFFFF, s0;
	[sflag:s5] =	ssyncset.done $0x0  }
.LBB2_1:
0x67: {  	[sflag:s5] =	ssyncadd.s32 $0xFFFFFB00  }
0x68: {  	[tilespmem:s3], [sflag:$0x3] =	stream.linear.gather [hbm4b:s4+s3], $0x3E8, $0x38;
	[tilespmem:$0xCC10] =	vst v63  }
0x69: {  	_ =	swait.ge [sflag:s5], $0x3E8  }
0x6a: {  	[sflag:s5] =	ssyncset.done $0x0  }
0x6b: {  	s0 =	rddreg [dreg:$0x4];
	[sflag:s5] =	ssyncadd.s32 $0xFFFFFC18  }
0x6c: {  	[tilespmem:s6], [sflag:$0x3] =	stream.linear.gather [hbm4b:s0+s3], $0x3E8, $0x38;
	[tilespmem:$0xCC10] =	vst v63  }
0x6d: {  	_ =	swait.ge [sflag:s5], $0x3E8  }
0x6e: {  	[sflag:s5] =	ssyncset.done $0x0  }
0x6f: {  	s31 =	rddreg [dreg:$0x5];
	[sflag:s5] =	ssyncadd.s32 $0xFFFFFC18  }
0x70: {  	[tilespmem:s7], [sflag:$0x3] =	stream.linear.gather [hbm4b:s31+s3], $0x3E8, $0x38;
	[tilespmem:$0xCC10] =	vst v63  }
0x71: {  	_ =	swait.ge [sflag:s5], $0x3E8  }
0x72: {  	[sflag:s5] =	ssyncset.done $0x0  }
0x73: {  	s1 =	rddreg [dreg:$0x6];
	[sflag:s5] =	ssyncadd.s32 $0xFFFFFC18  }
0x74: {  	[tilespmem:s8], [sflag:$0x3] =	stream.linear.gather [hbm4b:s1+s3], $0x3E8, $0x38;
	[tilespmem:$0xCC10] =	vst v63  }
0x75: {  	_ =	swait.ge [sflag:s5], $0x3E8  }
0x76: {  	[sflag:s5] =	ssyncset.done $0x0  }
0x77: {  	[sflag:s5] =	ssyncadd.s32 $0xFFFFFC18  }
0x78: {  	[tilespmem:s10], [sflag:$0x3] =	stream.linear.gather [hbm4b:s9+s3], $0x3E8, $0x38;
	[tilespmem:$0xCC10] =	vst v63  }
0x79: {  	_ =	swait.ge [sflag:s5], $0x3E8  }
0x7a: {  	[sflag:s5] =	ssyncset.done $0x0  }
0x7b: {  	[sflag:s5] =	ssyncadd.s32 $0xFFFFFC18  }
0x7c: {  	[tilespmem:s12], [sflag:$0x3] =	stream.linear.gather [hbm4b:s11+s3], $0x3E8, $0x38;
	[tilespmem:$0xCC10] =	vst v63  }
0x7d: {  	_ =	swait.ge [sflag:s5], $0x3E8  }
0x7e: {  	[sflag:s5] =	ssyncset.done $0x0  }
0x7f: {  	[sflag:s5] =	ssyncadd.s32 $0xFFFFFC18  }
0x80: {  	[tilespmem:s14], [sflag:$0x3] =	stream.linear.gather [hbm4b:s13+s3], $0x3E8, $0x38;
	[tilespmem:$0xCC10] =	vst v63  }
0x81: {  	_ =	swait.ge [sflag:s5], $0x3E8  }
0x82: {  	[sflag:s5] =	ssyncset.done $0x0  }
0x83: {  	[sflag:s5] =	ssyncadd.s32 $0xFFFFFC18  }
0x84: {  	[tilespmem:s16], [sflag:$0x3] =	stream.linear.gather [hbm4b:s15+s3], $0x3E8, $0x38;
	[tilespmem:$0xCC10] =	vst v63  }
0x85: {  	_ =	swait.ge [sflag:s5], $0x3E8  }
0x86: {  	[sflag:s5] =	ssyncset.done $0x0  }
0x87: {  	[sflag:s5] =	ssyncadd.s32 $0xFFFFFC18  }
0x88: {  	[tilespmem:s18], [sflag:$0x3] =	stream.linear.gather [hbm4b:s17+s3], $0x3E8, $0x38;
	[tilespmem:$0xCC10] =	vst v63  }
0x89: {  	_ =	swait.ge [sflag:s5], $0x3E8  }
0x8a: {  	[sflag:s5] =	ssyncset.done $0x0  }
0x8b: {  	[sflag:s5] =	ssyncadd.s32 $0xFFFFFC18  }
0x8c: {  	[tilespmem:s20], [sflag:$0x3] =	stream.linear.gather [hbm4b:s19+s3], $0x3E8, $0x38;
	[tilespmem:$0xCC10] =	vst v63  }
0x8d: {  	_ =	swait.ge [sflag:s5], $0x3E8  }
0x8e: {  	[sflag:s5] =	ssyncset.done $0x0  }
0x8f: {  	s31 =	rddreg [dreg:$0x3];
	[sflag:s5] =	ssyncadd.s32 $0xFFFFFC18  }
0x90: {  	[spmem:s21], [sflag:s22] =	dma.local [hbm:s31], $0x500  }
0x91: {  	_ =	swait.ge [sflag:s5], $0x500  }
0x92: {  	[sflag:s5] =	ssyncset.done $0x0  }
0x93: {  	[sflag:s5] =	ssyncadd.s32 $0xFFFFFB00  }
0x94: {  	[bflag:$0x0] =	sbarrier.arrive $0xFFFF  }
0x95: {  	[tilespmem:s24], [sflag:$0x1] =	stream.indirect.gather [hbm4b:s23+s7], $0x10, s3, s7, $0xb8;
	[tilespmem:$0xCC10] =	vst v63  }
0x96: {  	_ = 	snop  }
0x97: {  	[tilespmem:s25], [sflag:$0x2] =	stream.indirect.gather [hbm4b:s23+s7], $0x10, s7, s7, $0xb8;
	[tilespmem:$0xCC10] =	vst v63  }
0x98: {  	_ =	swait.ge [sflag:s26], $0x3E80  }
0x99: {  	[sflag:s26] =	ssyncset.done $0x0  }
0x9a: {  	[sflag:s26] =	ssyncadd.s32 $0xFFFFC180  }
0x9b: {  	[spmem:s2] =	stream.indirect.scatter.add.f32 [tilespmem:s24], [sflag:$0x3], $0x10, s6, s7, $0xb8;
	[tilespmem:$0xCC10] =	vst v63  }
0x9c: {  	_ =	swait.ge [sflag:s5], $0x3E80  }
0x9d: {  	[sflag:s5] =	ssyncset.done $0x0  }
0x9e: {  	[sflag:s5] =	ssyncadd.s32 $0xFFFFC180  }
0x9f: {  	[tilespmem:s24], [sflag:$0x1] =	stream.indirect.gather [hbm4b:s23+s7], $0x10, s10, s7, $0xb8;
	[tilespmem:$0xCC10] =	vst v63  }
0xa0: {  	_ =	swait.ge [sflag:s28], $0x3E80  }
0xa1: {  	[sflag:s28] =	ssyncset.done $0x0  }
0xa2: {  	[sflag:s28] =	ssyncadd.s32 $0xFFFFC180  }
0xa3: {  	[spmem:s2] =	stream.indirect.scatter.add.f32 [tilespmem:s25], [sflag:$0x3], $0x10, s8, s7, $0xb8;
	[tilespmem:$0xCC10] =	vst v63  }
0xa4: {  	_ =	swait.ge [sflag:s5], $0x3E80  }
0xa5: {  	[sflag:s5] =	ssyncset.done $0x0  }
0xa6: {  	[sflag:s5] =	ssyncadd.s32 $0xFFFFC180  }
0xa7: {  	[tilespmem:s25], [sflag:$0x2] =	stream.indirect.gather [hbm4b:s23+s7], $0x10, s14, s7, $0xb8;
	[tilespmem:$0xCC10] =	vst v63  }
0xa8: {  	_ =	swait.ge [sflag:s26], $0x3E80  }
0xa9: {  	[sflag:s26] =	ssyncset.done $0x0  }
0xaa: {  	[sflag:s26] =	ssyncadd.s32 $0xFFFFC180  }
0xab: {  	[spmem:s2] =	stream.indirect.scatter.add.f32 [tilespmem:s24], [sflag:$0x3], $0x10, s12, s7, $0xb8;
	[tilespmem:$0xCC10] =	vst v63  }
0xac: {  	_ =	swait.ge [sflag:s5], $0x3E80  }
0xad: {  	[sflag:s5] =	ssyncset.done $0x0  }
0xae: {  	[sflag:s5] =	ssyncadd.s32 $0xFFFFC180  }
0xaf: {  	[tilespmem:s24], [sflag:$0x1] =	stream.indirect.gather [hbm4b:s23+s7], $0x10, s18, s7, $0xb8;
	[tilespmem:$0xCC10] =	vst v63  }
0xb0: {  	_ =	swait.ge [sflag:s28], $0x3E80  }
0xb1: {  	[sflag:s28] =	ssyncset.done $0x0  }
0xb2: {  	[sflag:s28] =	ssyncadd.s32 $0xFFFFC180  }
0xb3: {  	[spmem:s2] =	stream.indirect.scatter.add.f32 [tilespmem:s25], [sflag:$0x3], $0x10, s16, s7, $0xb8;
	[tilespmem:$0xCC10] =	vst v63  }
0xb4: {  	_ =	swait.ge [sflag:s5], $0x3E80  }
0xb5: {  	[sflag:s5] =	ssyncset.done $0x0  }
0xb6: {  	[sflag:s5] =	ssyncadd.s32 $0xFFFFC180  }
0xb7: {  	_ =	swait.ge [sflag:s26], $0x3E80  }
0xb8: {  	[sflag:s26] =	ssyncset.done $0x0  }
0xb9: {  	[sflag:s26] =	ssyncadd.s32 $0xFFFFC180  }
0xba: {  	[spmem:s2] =	stream.indirect.scatter.add.f32 [tilespmem:s24], [sflag:$0x3], $0x10, s20, s7, $0xb8;
	[tilespmem:$0xCC10] =	vst v63  }
0xbb: {  	_ =	swait.ge [sflag:s5], $0x3E80  }
0xbc: {  	p0 =	sne.s32 s30, $0x1;
	[sflag:s5] =	ssyncset.done $0x0  }
.Ltmp1:
0xbd: {  	[sflag:s5] =	ssyncadd.s32 $0xFFFFC180;
	(pc) =	sbr.rel @p0 .LBB2_1-.Ltmp1, $4  }
0xbe: {  	[bflag:$0x0] =	sbarrier.arrive $0xFFFF  }
0xbf: {  	[hbm:s29], [sflag:s22] =	dma.local [spmem:s21], $0x500  }
0xc0: {  	_ =	swait.ge [sflag:s5], $0x500  }
0xc1: {  	s30 =	sadd.s32 $0xFFFFFFFF, s30;
	[sflag:s5] =	ssyncset.done $0x0  }
.LBB2_2:
0xc2: {  	[sflag:s5] =	ssyncadd.s32 $0xFFFFFB00  }
0xc3: {  	_ =	sfence.sel $0x180000  }
0xc4: {  	[bflag:$0x0] =	sbarrier.arrive $0xFFFF  }
0xc5: {  	_ =	strace $0x9000004A  }
0xc6: {  	s0 =	stileid.u32;
	[bflag:$0x2] =	sbarrier.arrive $0xFFFF  }
0xc7: {  	p0 =	sne.s32 s0, $0x0;
	s0 =	rddreg [dreg:$0x2]  }
0xc8: {  	s0 =	sadd.s32 @!p0 $0x100000, s0  }
0xc9: {  	[sflag:s0] =	ssyncadd.tile.s32 @!p0 $0x1;
	_ =	shalt  }
.Lfunc_end2:
_tile_overlayer_lowered:
.L_overlay_start_2:
0xca: {  	(tag) =	ssettag $0x2  }
0xcb: {  	s0 =	rddreg [dreg:$0x0];
	s2 =	stileid.u32  }
0xcc: {  	s1 =	rddreg [dreg:$0x1];
	p0 =	sne.s32 s2, $0x0  }
0xcd: {  	s3 =	rddreg [dreg:$0x2];
	[bflag:$0x3] =	sbarrier.arrive $0xFFFF;
	s2 =	simm.s32 @!p0 $0x1C03  }
0xce: {  	[timem:s3], [sflag:s2] =	dma.local @!p0 [hbm:s0], s1  }
0xcf: {  	s0 =	simm.s32 @!p0 $0x3  }
0xd0: {  	_ =	swait.ge @!p0 [sflag:s0], s1  }
0xd1: {  	s1 =	ssub.s32 @!p0 $0x0, s1;
	[sflag:s0] =	ssyncset.done @!p0 $0x0  }
0xd2: {  	[sflag:s0] =	ssyncadd.s32 @!p0 s1  }
0xd3: {  	[bflag:$0x3] =	sbarrier.arrive $0xFFFF  }
0xd4: {  	_ =	shalt  }

// kernel: kernel.15.cloned.1.call-start
scs
__scs_entry_jumppad:
0x0: {  	(pc) =	sbr.rel $0x88, $3  }
0x1: {  	(tag) =	ssettag $0x0;
	lr =	simm.s32 $0x1  }
0x2: {  	[smem:$0x3F9B] =	sst lr;
	_ =	strace $0xD0000000  }
0x3: {  	_ = 	snop  }
0x4: {  	_ = 	snop  }
0x5: {  	_ = 	snop  }
0x6: {  	_ = 	snop  }
0x7: {  	_ = 	snop  }
__scs_overlays_trampoline_lowered:
0x8: {  	[smem:$0x3FAA] =	sst s0  }
0x9: {  	[smem:$0x3FAB] =	sst s1  }
0xa: {  	[smem:$0x3FAC] =	sst s2  }
0xb: {  	[smem:$0x3FAD] =	sst s3  }
0xc: {  	[smem:$0x3FAE] =	sst s4  }
0xd: {  	[smem:$0x3FAF] =	sst s5  }
0xe: {  	[smem:$0x3FB0] =	sst s6  }
0xf: {  	[smem:$0x3FB1] =	sst s7  }
0x10: {  	[smem:$0x3FB2] =	sst s8  }
0x11: {  	[smem:$0x3FB3] =	sst s9;
	s0 =	simm.s32 @!p0 $0x0  }
0x12: {  	s1 =	sld [smem:$0x3F99];
	s0 =	simm.s32 @p0 $0x1  }
0x13: {  	[smem:$0x3FB4] =	sst s0;
	s0 =	simm.s32 @!p1 $0x0  }
0x14: {  	s2 =	sld [smem:$0x3F98];
	s0 =	simm.s32 @p1 $0x1  }
0x15: {  	[smem:$0x3FB5] =	sst s0;
	s0 =	simm.s32 @!p2 $0x0  }
0x16: {  	s3 =	sld [smem:$0x3FDB];
	s0 =	simm.s32 @p2 $0x1  }
0x17: {  	s4 =	simm.s32 $0x1BF5;
	[smem:$0x3FB7] =	sst s0  }
0x18: {  	s0 =	sld [smem:$0x3F9A];
	_ =	swait.ge [sflag:s4], $0x0  }
0x19: {  	s7 =	sld [smem:$0x3F9B]  }
0x1a: {  	s8 =	sadd.s32 $0xFFFFE003, lr  }
0x1b: {  	s9 =	sadd.s32 $0xFFFFFEF7, lr;
	s5 =	simm.s32 $0xFFFFFFFF;
	p2 =	slt.u32 s8, $0xFFFFF086  }
0x1c: {  	p1 =	slt.u32 s9, $0xF7A;
	s5 =	simm.s32 @!p2 $0x0  }
0x1d: {  	s5 =	simm.s32 @p1 $0x1;
	p0 =	seq.s32 s7, s2  }
0x1e: {  	s7 =	smul.u32 @!p0 $0xF7A, s2;
	p2 =	seq.s32 @!p0 s5, $0x0  }
0x1f: {  	s9 =	smul.u32 $0xF7A, s1;
	s8 =	simm.s32 @!p0 $0x1BF5;
	p2 =	por !p2, p0  }
0x20: {  	[sflag:s8] =	ssyncset.s32 @!p0 $0xFFFFF086;
	s6 =	sadd.s32 @!p0 s3, s7;
	s7 =	simm.s32 @!p0 $0x108  }
0x21: {  	s3 =	sadd.s32 s3, s9;
	s6 =	sadd.s32 @!p0 $0x88, s6;
	s7 =	simm.s32 @p2 $0x1082  }
0x22: {  	[simem:s7], [sflag:s8] =	dma.local @!p0 [hbm:s6], $0xF7A  }
0x23: {  	s9 =	sor.u32 $0xD0000000, s2;
	s6 =	simm.s32 $0x108;
	_ =	swait.ge @!p0 [sflag:s8], $0x0  }
0x24: {  	s3 =	sadd.s32 $0x88, s3;
	s6 =	simm.s32 @!p1 $0x1082;
	[sflag:s4] =	ssyncset.s32 $0xFFFFF086  }
0x25: {  	[simem:s6], [sflag:s4] =	dma.local [hbm:s3], $0xF7A  }
0x26: {  	[smem:$0x3F9B] =	sst s1;
	(tag) =	ssettag s2;
	_ =	strace s9  }
0x27: {  	s1 =	sld [smem:$0x3FAB]  }
0x28: {  	s2 =	sld [smem:$0x3FAC]  }
0x29: {  	s4 =	sld [smem:$0x3FAE]  }
0x2a: {  	p0 =	seq.s32 s5, $0x0;
	s5 =	sld [smem:$0x3FAF]  }
0x2b: {  	s6 =	sld [smem:$0x3FB0]  }
0x2c: {  	s7 =	sld [smem:$0x3FB1]  }
0x2d: {  	s3 =	simm.s32 $0x108;
	s8 =	sld [smem:$0x3FB2]  }
0x2e: {  	s3 =	simm.s32 @!p0 $0x1082;
	s9 =	sld [smem:$0x3FB3]  }
0x2f: {  	lr =	sadd.s32 s0, s3;
	s0 =	sld [smem:$0x3FAA]  }
0x30: {  	s3 =	sld [smem:$0x3FAD]  }
0x31: {  	[smem:$0x3FB6] =	sst s10  }
0x32: {  	s10 =	sld [smem:$0x3FB4];
	_ =	sdelay $0x3  }
0x33: {  	p0 =	seq.s32 s10, $0x1;
	s10 =	sld [smem:$0x3FB6];
	_ =	sdelay $0x3  }
0x34: {  	[smem:$0x3FB6] =	sst s10  }
0x35: {  	s10 =	sld [smem:$0x3FB5];
	_ =	sdelay $0x3  }
0x36: {  	p1 =	seq.s32 s10, $0x1;
	s10 =	sld [smem:$0x3FB6];
	_ =	sdelay $0x3  }
0x37: {  	[smem:$0x3FB6] =	sst s10  }
0x38: {  	s10 =	sld [smem:$0x3FB7]  }
0x39: {  	_ = 	snop;
	(pc) =	sbr.ind lr, $3  }
0x3a: {  	_ = 	snop  }
0x3b: {  	_ = 	snop  }
0x3c: {  	p2 =	seq.s32 s10, $0x1;
	s10 =	sld [smem:$0x3FB6]  }
0x3d: {  	_ =	shalt  }
0x3e: {  	_ =	shalt  }
0x3f: {  	_ =	shalt  }
0x40: {  	_ =	shalt  }
0x41: {  	_ =	shalt  }
0x42: {  	_ =	shalt  }
0x43: {  	_ =	shalt  }
0x44: {  	_ =	shalt  }
0x45: {  	_ =	shalt  }
0x46: {  	_ =	shalt  }
0x47: {  	_ =	shalt  }
0x48: {  	_ =	shalt  }
0x49: {  	_ =	shalt  }
0x4a: {  	_ =	shalt  }
0x4b: {  	_ =	shalt  }
0x4c: {  	_ =	shalt  }
0x4d: {  	_ =	shalt  }
0x4e: {  	_ =	shalt  }
0x4f: {  	_ =	shalt  }
0x50: {  	_ =	shalt  }
0x51: {  	_ =	shalt  }
0x52: {  	_ =	shalt  }
0x53: {  	_ =	shalt  }
0x54: {  	_ =	shalt  }
0x55: {  	_ =	shalt  }
0x56: {  	_ =	shalt  }
0x57: {  	_ =	shalt  }
0x58: {  	_ =	shalt  }
0x59: {  	_ =	shalt  }
0x5a: {  	_ =	shalt  }
0x5b: {  	_ =	shalt  }
0x5c: {  	_ =	shalt  }
0x5d: {  	_ =	shalt  }
0x5e: {  	_ =	shalt  }
0x5f: {  	_ =	shalt  }
0x60: {  	_ =	shalt  }
0x61: {  	_ =	shalt  }
0x62: {  	_ =	shalt  }
0x63: {  	_ =	shalt  }
0x64: {  	_ =	shalt  }
0x65: {  	_ =	shalt  }
0x66: {  	_ =	shalt  }
0x67: {  	_ =	shalt  }
0x68: {  	_ =	shalt  }
0x69: {  	_ =	shalt  }
0x6a: {  	_ =	shalt  }
0x6b: {  	_ =	shalt  }
0x6c: {  	_ =	shalt  }
0x6d: {  	_ =	shalt  }
0x6e: {  	_ =	shalt  }
0x6f: {  	_ =	shalt  }
0x70: {  	_ =	shalt  }
0x71: {  	_ =	shalt  }
0x72: {  	_ =	shalt  }
0x73: {  	_ =	shalt  }
0x74: {  	_ =	shalt  }
0x75: {  	_ =	shalt  }
0x76: {  	_ =	shalt  }
0x77: {  	_ =	shalt  }
0x78: {  	_ =	shalt  }
0x79: {  	_ =	shalt  }
0x7a: {  	_ =	shalt  }
0x7b: {  	_ =	shalt  }
0x7c: {  	_ =	shalt  }
0x7d: {  	_ =	shalt  }
0x7e: {  	_ =	shalt  }
0x7f: {  	_ =	shalt  }
0x80: {  	_ =	shalt  }
0x81: {  	_ =	shalt  }
0x82: {  	_ =	shalt  }
0x83: {  	_ =	shalt  }
0x84: {  	_ =	shalt  }
0x85: {  	_ =	shalt  }
0x86: {  	_ =	shalt  }
0x87: {  	_ =	shalt  }
.Lfunc_end0:
.L_simem_size_0:
called_computation.2_lowered:
.L_overlay_start_0:
0x88: {  	s2 =	sld [smem:$0x3FD9]  }
0x89: {  	s3 =	sld [smem:$0x3FFE];
	_ =	sdelay $0x1  }
0x8a: {  	s1 =	srdreg.scid  }
0x8b: {  	s0 =	sand.u32 $0x1, s1  }
0x8c: {  	s16 =	sshll.u32 s0, $0xA;
	s2 =	sadd.s32 s3, s2  }
0x8d: {  	s2 =	sadd.s32 s2, s16  }
0x8e: {  	[smem:$0x3FC2] =	sst s2  }
0x8f: {  	_ = 	snop  }
0x90: {  	(tm) =	ssettm $0x1  }
0x91: {  	s17 =	sld [smem:$0x3FFB];
	_ =	sdelay $0x3  }
0x92: {  	_ =	strace s17  }
0x93: {  	s2 =	sld [smem:$0x3FFC];
	_ =	sdelay $0x3  }
0x94: {  	_ =	strace s2  }
0x95: {  	s2 =	sld [smem:$0x3FFD];
	_ =	sdelay $0x3  }
0x96: {  	_ =	strace s2  }
0x97: {  	_ =	strace $0x8FFFFFFF  }
0x98: {  	s18 =	sld [smem:$0x3FDB];
	_ =	sdelay $0x1  }
0x99: {  	s19 =	simm.s32 $_scs_section_size  }
0x9a: {  	s4 =	simm.s32 $_size__tile_overlayer_lowered;
	s5 =	simm.s32 $_tile_overlayer_lowered  }
0x9b: {  	s22 =	simm.s32 $0x1BFF;
	s21 =	sshll.u32 s5, $0x1;
	s2 =	sadd.s32 s19, s18  }
0x9c: {  	s6 =	simm.s32 $0x0;
	s20 =	sshll.u32 s4, $0x1;
	s4 =	sadd.s32 s21, s2  }
0x9d: {  	[timem:s6], [sflag:s22] =	dma.local [hbm:s4], s20  }
0x9e: {  	_ =	swait.ge [sflag:s22], s20  }
0x9f: {  	s3 =	ssub.s32 $0x0, s20;
	[sflag:s22] =	ssyncset.done $0x0  }
0xa0: {  	[sflag:s22] =	ssyncadd.s32 s3;
	_ =	sdelay $0x1  }
0xa1: {  	s23 =	simm.s32 $0x1B8B  }
0xa2: {  	_ =	swait.ge [sflag:s23], $0x1  }
0xa3: {  	[sflag:s23] =	ssyncset.done $0x0  }
0xa4: {  	s25 =	simm.s32 $0x1B8E;
	s24 =	sld [smem:$0x3FFE];
	[sflag:s23] =	ssyncadd.s32 $0xFFFFFFFF  }
0xa5: {  	s26 =	simm.s32 $execute0_lowered;
	[smem:$0x3FD2] =	sst s25  }
0xa6: {  	s4 =	sshll.u32 s26, $0x1;
	_ =	strace $0x8000004C;
	[dreg:$0x1] =	wrdreg $0xFFFFFFFF  }
0xa7: {  	s28 =	simm.s32 $_size_execute0_lowered;
	s2 =	sadd.s32 s2, s4;
	[dreg:$0x0] =	wrdreg $0x0  }
0xa8: {  	s4 =	sshll.u32 s28, $0x1;
	[dreg:$0x2] =	wrdreg s2  }
0xa9: {  	[dreg:$0x3] =	wrdreg s4  }
0xaa: {  	[dreg:$0x4] =	wrdreg $0xC0  }
0xab: {  	_ =	task [dreg:s6], $0x5FFFF  }
0xac: {  	[dreg:$0x1] =	wrdreg $0xFFFFFFFF  }
0xad: {  	[dreg:$0x0] =	wrdreg $0x60  }
0xae: {  	[dreg:$0x2] =	wrdreg s24  }
0xaf: {  	[dreg:$0x3] =	wrdreg $0xA4100  }
0xb0: {  	[dreg:$0x4] =	wrdreg $0x9  }
0xb1: {  	_ =	task.clear_ibuf [dreg:s6], $0x5FFFF;
	_ =	strace $0x9000004C  }
0xb2: {  	s29 =	simm.s32 $0x9;
	_ =	strace $0x8000004E  }
0xb3: {  	_ =	swait.ge [sflag:s29], $0x1  }
0xb4: {  	[sflag:s29] =	ssyncadd.s32 $0xFFFFFFFF  }
0xb5: {  	_ =	strace $0x9000004E  }
0xb6: {  	_ =	sfence  }
0xb7: {  	s30 =	sld [smem:$0x0];
	_ =	sdelay $0x2  }
0xb8: {  	s31 =	sshll.u32 s1, $0xD;
	s1 =	sshrl.u32 s1, $0x2  }
0xb9: {  	s3 =	sand.u32 $0x4000, s31;
	s1 =	sadd.s32 s1, s30  }
0xba: {  	s0 =	sor.u32 s3, s0;
	s1 =	sshll.u32 s1, $0x11  }
0xbb: {  	s0 =	sor.u32 s1, s0  }
0xbc: {  	s0 =	sadd.s32 $0x8F2B, s0  }
0xbd: {  	[sflag:s0] =	ssyncadd.remote.s32 $0x1  }
0xbe: {  	_ =	sfence.sel $0xFFFF  }
0xbf: {  	[dreg:$0x0] =	wrdreg $0xFFFFFFFF;
	(pc) =	sbr.abs _section_cstart, $3  }
0xc0: {  	[dreg:$0x1] =	wrdreg $0xFFFFFFFF  }
0xc1: {  	_ =	task.clear_ibuf [dreg:s6], $0x2FFFF;
	_ =	strace $0x9FFFFFFF  }
0xc2: {  	(tm) =	ssettm $0x7FFFFFFF  }
0xc3: {  	_ =	shalt  }
tec
execute0_lowered:
.L_overlay_start_1:
0x0: {  	(tag) =	ssettag $0x1  }
0x1: {  	s0 =	srdreg.scid  }
0x2: {  	s30 =	sand.u32 $0x1, s0  }
0x3: {  	s22 =	stileid.u32;
	s4 =	sshll.u32 s30, $0x4  }
0x4: {  	s29 =	rddreg [dreg:$0x0];
	s4 =	sor.u32 s22, s4  }
0x5: {  	s2 =	rddreg [dreg:$0x1];
	s3 =	simm.s32 $0x0;
	s15 =	smul.u32 $0x1388, s4  }
0x6: {  	[smem:$0x7FF] =	sst s3;
	s16 =	sadd.s32 $0x3800, s29  }
0x7: {  	s23 =	sadd.s32 $0xD600, s29;
	_ =	strace $0x8000004D;
	s5 =	sshrl.u32 s15, $0x3  }
0x8: {  	[dreg:$0x3] =	wrdreg s23;
	s24 =	sadd.s32 $0x3E8, s15;
	s4 =	sadd.s32 s16, s5  }
0x9: {  	s7 =	sadd.s32 $0x274E8, s15;
	s5 =	sshrl.u32 s24, $0x3;
	s6 =	sadd.s32 $0x4E20, s4  }
0xa: {  	[tilespmem:s3], [sflag:$0x3] =	stream.linear.gather [hbm4b:s4+s3], $0x3E8, $0x38;
	[tilespmem:$0xCC10] =	vst v63  }
0xb: {  	s25 =	sshrl.u32 s7, $0x3;
	s5 =	sadd.s32 s16, s5;
	[dreg:$0x4] =	wrdreg s6  }
0xc: {  	s26 =	sadd.s32 s16, s25;
	[dreg:$0x5] =	wrdreg s5  }
0xd: {  	[dreg:$0x6] =	wrdreg s26;
	s5 =	simm.s32 $0x3  }
0xe: {  	_ =	swait.ge [sflag:s5], $0x3E8  }
0xf: {  	[sflag:s5] =	ssyncset.done $0x0  }
0x10: {  	s6 =	simm.s32 $0x1388;
	s31 =	rddreg [dreg:$0x4];
	[sflag:s5] =	ssyncadd.s32 $0xFFFFFC18  }
0x11: {  	[tilespmem:s6], [sflag:$0x3] =	stream.linear.gather [hbm4b:s31+s3], $0x3E8, $0x38;
	[tilespmem:$0xCC10] =	vst v63  }
0x12: {  	_ =	swait.ge [sflag:s5], $0x3E8  }
0x13: {  	[sflag:s5] =	ssyncset.done $0x0  }
0x14: {  	s7 =	simm.s32 $0x3E8;
	s8 =	rddreg [dreg:$0x5];
	[sflag:s5] =	ssyncadd.s32 $0xFFFFFC18  }
0x15: {  	[tilespmem:s7], [sflag:$0x3] =	stream.linear.gather [hbm4b:s8+s3], $0x3E8, $0x38;
	[tilespmem:$0xCC10] =	vst v63  }
0x16: {  	_ =	swait.ge [sflag:s5], $0x3E8  }
0x17: {  	[sflag:s5] =	ssyncset.done $0x0  }
0x18: {  	s8 =	simm.s32 $0x1770;
	s9 =	rddreg [dreg:$0x6];
	[sflag:s5] =	ssyncadd.s32 $0xFFFFFC18  }
0x19: {  	[tilespmem:s8], [sflag:$0x3] =	stream.linear.gather [hbm4b:s9+s3], $0x3E8, $0x38;
	[tilespmem:$0xCC10] =	vst v63  }
0x1a: {  	_ =	swait.ge [sflag:s5], $0x3E8  }
0x1b: {  	[sflag:s5] =	ssyncset.done $0x0  }
0x1c: {  	s10 =	simm.s32 $0x7D0;
	s9 =	sadd.s32 $0xFA, s4;
	[sflag:s5] =	ssyncadd.s32 $0xFFFFFC18  }
0x1d: {  	[tilespmem:s10], [sflag:$0x3] =	stream.linear.gather [hbm4b:s9+s3], $0x3E8, $0x38;
	[tilespmem:$0xCC10] =	vst v63  }
0x1e: {  	_ =	swait.ge [sflag:s5], $0x3E8  }
0x1f: {  	[sflag:s5] =	ssyncset.done $0x0  }
0x20: {  	s12 =	simm.s32 $0x1B58;
	s11 =	sadd.s32 $0x4F1A, s4;
	[sflag:s5] =	ssyncadd.s32 $0xFFFFFC18  }
0x21: {  	[tilespmem:s12], [sflag:$0x3] =	stream.linear.gather [hbm4b:s11+s3], $0x3E8, $0x38;
	[tilespmem:$0xCC10] =	vst v63  }
0x22: {  	s13 =	sadd.s32 $0xBB8, s15;
	_ =	swait.ge [sflag:s5], $0x3E8  }
0x23: {  	s13 =	sshrl.u32 s13, $0x3;
	[sflag:s5] =	ssyncset.done $0x0  }
0x24: {  	s14 =	simm.s32 $0xBB8;
	s13 =	sadd.s32 s16, s13;
	[sflag:s5] =	ssyncadd.s32 $0xFFFFFC18  }
0x25: {  	[tilespmem:s14], [sflag:$0x3] =	stream.linear.gather [hbm4b:s13+s3], $0x3E8, $0x38;
	[tilespmem:$0xCC10] =	vst v63  }
0x26: {  	s15 =	sadd.s32 $0x27CB8, s15;
	_ =	swait.ge [sflag:s5], $0x3E8  }
0x27: {  	s15 =	sshrl.u32 s15, $0x3;
	[sflag:s5] =	ssyncset.done $0x0  }
0x28: {  	s15 =	sadd.s32 s16, s15;
	s16 =	simm.s32 $0x1F40;
	[sflag:s5] =	ssyncadd.s32 $0xFFFFFC18  }
0x29: {  	[tilespmem:s16], [sflag:$0x3] =	stream.linear.gather [hbm4b:s15+s3], $0x3E8, $0x38;
	[tilespmem:$0xCC10] =	vst v63  }
0x2a: {  	_ =	swait.ge [sflag:s5], $0x3E8  }
0x2b: {  	[sflag:s5] =	ssyncset.done $0x0  }
0x2c: {  	s18 =	simm.s32 $0xFA0;
	s17 =	sadd.s32 $0x1F4, s4;
	[sflag:s5] =	ssyncadd.s32 $0xFFFFFC18  }
0x2d: {  	[tilespmem:s18], [sflag:$0x3] =	stream.linear.gather [hbm4b:s17+s3], $0x3E8, $0x38;
	[tilespmem:$0xCC10] =	vst v63  }
0x2e: {  	_ =	swait.ge [sflag:s5], $0x3E8  }
0x2f: {  	s20 =	simm.s32 $0x2328;
	[sflag:s5] =	ssyncset.done $0x0  }
0x30: {  	s19 =	sadd.s32 $0x5014, s4;
	s31 =	smul.u32 $0x2800, s22;
	[sflag:s5] =	ssyncadd.s32 $0xFFFFFC18  }
0x31: {  	[tilespmem:s20], [sflag:$0x3] =	stream.linear.gather [hbm4b:s19+s3], $0x3E8, $0x38;
	[tilespmem:$0xCC10] =	vst v63  }
0x32: {  	s22 =	sshll.u32 s22, $0x6;
	_ =	swait.ge [sflag:s5], $0x3E8  }
0x33: {  	s22 =	sor.u32 $0x1C03, s22;
	s21 =	sadd.s32 s31, s2;
	[sflag:s5] =	ssyncset.done $0x0  }
0x34: {  	s21 =	sshrl.u32 s21, $0x3;
	s23 =	rddreg [dreg:$0x3];
	[sflag:s5] =	ssyncadd.s32 $0xFFFFFC18  }
0x35: {  	[spmem:s21], [sflag:s22] =	dma.local [hbm:s23], $0x500  }
0x36: {  	_ =	swait.ge [sflag:s5], $0x500  }
0x37: {  	[sflag:s5] =	ssyncset.done $0x0  }
0x38: {  	[sflag:s5] =	ssyncadd.s32 $0xFFFFFB00  }
0x39: {  	s24 =	simm.s32 $0x2710;
	s23 =	sadd.s32 $0xDC00, s29;
	[bflag:$0x0] =	sbarrier.arrive $0xFFFF  }
0x3a: {  	[tilespmem:s24], [sflag:$0x1] =	stream.indirect.gather [hbm4b:s23+s7], $0x10, s3, s7, $0xb8;
	[tilespmem:$0xCC10] =	vst v63  }
0x3b: {  	s25 =	simm.s32 $0x6590;
	s26 =	simm.s32 $0x1  }
0x3c: {  	[tilespmem:s25], [sflag:$0x2] =	stream.indirect.gather [hbm4b:s23+s7], $0x10, s7, s7, $0xb8;
	[tilespmem:$0xCC10] =	vst v63  }
0x3d: {  	_ =	swait.ge [sflag:s26], $0x3E80  }
0x3e: {  	[sflag:s26] =	ssyncset.done $0x0  }
0x3f: {  	[sflag:s26] =	ssyncadd.s32 $0xFFFFC180  }
0x40: {  	[spmem:s2] =	stream.indirect.scatter.add.f32 [tilespmem:s24], [sflag:$0x3], $0x10, s6, s7, $0xb8;
	[tilespmem:$0xCC10] =	vst v63  }
0x41: {  	_ =	swait.ge [sflag:s5], $0x3E80  }
0x42: {  	[sflag:s5] =	ssyncset.done $0x0  }
0x43: {  	s28 =	simm.s32 $0x2;
	[sflag:s5] =	ssyncadd.s32 $0xFFFFC180  }
0x44: {  	[tilespmem:s24], [sflag:$0x1] =	stream.indirect.gather [hbm4b:s23+s7], $0x10, s10, s7, $0xb8;
	[tilespmem:$0xCC10] =	vst v63  }
0x45: {  	_ =	swait.ge [sflag:s28], $0x3E80  }
0x46: {  	[sflag:s28] =	ssyncset.done $0x0  }
0x47: {  	[sflag:s28] =	ssyncadd.s32 $0xFFFFC180  }
0x48: {  	[spmem:s2] =	stream.indirect.scatter.add.f32 [tilespmem:s25], [sflag:$0x3], $0x10, s8, s7, $0xb8;
	[tilespmem:$0xCC10] =	vst v63  }
0x49: {  	_ =	swait.ge [sflag:s5], $0x3E80  }
0x4a: {  	[sflag:s5] =	ssyncset.done $0x0  }
0x4b: {  	[sflag:s5] =	ssyncadd.s32 $0xFFFFC180  }
0x4c: {  	[tilespmem:s25], [sflag:$0x2] =	stream.indirect.gather [hbm4b:s23+s7], $0x10, s14, s7, $0xb8;
	[tilespmem:$0xCC10] =	vst v63  }
0x4d: {  	_ =	swait.ge [sflag:s26], $0x3E80  }
0x4e: {  	[sflag:s26] =	ssyncset.done $0x0  }
0x4f: {  	[sflag:s26] =	ssyncadd.s32 $0xFFFFC180  }
0x50: {  	[spmem:s2] =	stream.indirect.scatter.add.f32 [tilespmem:s24], [sflag:$0x3], $0x10, s12, s7, $0xb8;
	[tilespmem:$0xCC10] =	vst v63  }
0x51: {  	_ =	swait.ge [sflag:s5], $0x3E80  }
0x52: {  	[sflag:s5] =	ssyncset.done $0x0  }
0x53: {  	[sflag:s5] =	ssyncadd.s32 $0xFFFFC180  }
0x54: {  	[tilespmem:s24], [sflag:$0x1] =	stream.indirect.gather [hbm4b:s23+s7], $0x10, s18, s7, $0xb8;
	[tilespmem:$0xCC10] =	vst v63  }
0x55: {  	_ =	swait.ge [sflag:s28], $0x3E80  }
0x56: {  	[sflag:s28] =	ssyncset.done $0x0  }
0x57: {  	[sflag:s28] =	ssyncadd.s32 $0xFFFFC180  }
0x58: {  	[spmem:s2] =	stream.indirect.scatter.add.f32 [tilespmem:s25], [sflag:$0x3], $0x10, s16, s7, $0xb8;
	[tilespmem:$0xCC10] =	vst v63  }
0x59: {  	_ =	swait.ge [sflag:s5], $0x3E80  }
0x5a: {  	[sflag:s5] =	ssyncset.done $0x0  }
0x5b: {  	[sflag:s5] =	ssyncadd.s32 $0xFFFFC180  }
0x5c: {  	p0 =	seq.s32 s30, $0x1;
	s30 =	ssub.s32 $0x2, s30;
	_ =	swait.ge [sflag:s26], $0x3E80  }
0x5d: {  	s0 =	sshrl.u32 s30, $0x1;
	[sflag:s26] =	ssyncset.done $0x0  }
0x5e: {  	s1 =	simm.s32 $0x17C00;
	s0 =	ssub.s32 s30, s0;
	[sflag:s26] =	ssyncadd.s32 $0xFFFFC180  }
0x5f: {  	[spmem:s2] =	stream.indirect.scatter.add.f32 [tilespmem:s24], [sflag:$0x3], $0x10, s20, s7, $0xb8;
	[tilespmem:$0xCC10] =	vst v63  }
0x60: {  	s1 =	simm.s32 @!p0 $0x12C00;
	s0 =	smax.u32 s0, $0x1;
	_ =	swait.ge [sflag:s5], $0x3E80  }
0x61: {  	s1 =	sadd.s32 s1, s29;
	p0 =	sne.s32 s0, $0x1;
	[sflag:s5] =	ssyncset.done $0x0  }
.Ltmp0:
0x62: {  	s29 =	sshrl.u32 s31, $0x3;
	[sflag:s5] =	ssyncadd.s32 $0xFFFFC180;
	(pc) =	sbr.rel @!p0 .LBB2_2-.Ltmp0, $4  }
0x63: {  	s29 =	sadd.s32 s1, s29;
	[bflag:$0x0] =	sbarrier.arrive $0xFFFF  }
0x64: {  	[hbm:s29], [sflag:s22] =	dma.local [spmem:s21], $0x500  }
0x65: {  	_ =	swait.ge [sflag:s5], $0x500  }
0x66: {  	s30 =	sadd.s32 $0xFFFFFFFF, s0;
	[sflag:s5] =	ssyncset.done $0x0  }
.LBB2_1:
0x67: {  	[sflag:s5] =	ssyncadd.s32 $0xFFFFFB00  }
0x68: {  	[tilespmem:s3], [sflag:$0x3] =	stream.linear.gather [hbm4b:s4+s3], $0x3E8, $0x38;
	[tilespmem:$0xCC10] =	vst v63  }
0x69: {  	_ =	swait.ge [sflag:s5], $0x3E8  }
0x6a: {  	[sflag:s5] =	ssyncset.done $0x0  }
0x6b: {  	s0 =	rddreg [dreg:$0x4];
	[sflag:s5] =	ssyncadd.s32 $0xFFFFFC18  }
0x6c: {  	[tilespmem:s6], [sflag:$0x3] =	stream.linear.gather [hbm4b:s0+s3], $0x3E8, $0x38;
	[tilespmem:$0xCC10] =	vst v63  }
0x6d: {  	_ =	swait.ge [sflag:s5], $0x3E8  }
0x6e: {  	[sflag:s5] =	ssyncset.done $0x0  }
0x6f: {  	s31 =	rddreg [dreg:$0x5];
	[sflag:s5] =	ssyncadd.s32 $0xFFFFFC18  }
0x70: {  	[tilespmem:s7], [sflag:$0x3] =	stream.linear.gather [hbm4b:s31+s3], $0x3E8, $0x38;
	[tilespmem:$0xCC10] =	vst v63  }
0x71: {  	_ =	swait.ge [sflag:s5], $0x3E8  }
0x72: {  	[sflag:s5] =	ssyncset.done $0x0  }
0x73: {  	s1 =	rddreg [dreg:$0x6];
	[sflag:s5] =	ssyncadd.s32 $0xFFFFFC18  }
0x74: {  	[tilespmem:s8], [sflag:$0x3] =	stream.linear.gather [hbm4b:s1+s3], $0x3E8, $0x38;
	[tilespmem:$0xCC10] =	vst v63  }
0x75: {  	_ =	swait.ge [sflag:s5], $0x3E8  }
0x76: {  	[sflag:s5] =	ssyncset.done $0x0  }
0x77: {  	[sflag:s5] =	ssyncadd.s32 $0xFFFFFC18  }
0x78: {  	[tilespmem:s10], [sflag:$0x3] =	stream.linear.gather [hbm4b:s9+s3], $0x3E8, $0x38;
	[tilespmem:$0xCC10] =	vst v63  }
0x79: {  	_ =	swait.ge [sflag:s5], $0x3E8  }
0x7a: {  	[sflag:s5] =	ssyncset.done $0x0  }
0x7b: {  	[sflag:s5] =	ssyncadd.s32 $0xFFFFFC18  }
0x7c: {  	[tilespmem:s12], [sflag:$0x3] =	stream.linear.gather [hbm4b:s11+s3], $0x3E8, $0x38;
	[tilespmem:$0xCC10] =	vst v63  }
0x7d: {  	_ =	swait.ge [sflag:s5], $0x3E8  }
0x7e: {  	[sflag:s5] =	ssyncset.done $0x0  }
0x7f: {  	[sflag:s5] =	ssyncadd.s32 $0xFFFFFC18  }
0x80: {  	[tilespmem:s14], [sflag:$0x3] =	stream.linear.gather [hbm4b:s13+s3], $0x3E8, $0x38;
	[tilespmem:$0xCC10] =	vst v63  }
0x81: {  	_ =	swait.ge [sflag:s5], $0x3E8  }
0x82: {  	[sflag:s5] =	ssyncset.done $0x0  }
0x83: {  	[sflag:s5] =	ssyncadd.s32 $0xFFFFFC18  }
0x84: {  	[tilespmem:s16], [sflag:$0x3] =	stream.linear.gather [hbm4b:s15+s3], $0x3E8, $0x38;
	[tilespmem:$0xCC10] =	vst v63  }
0x85: {  	_ =	swait.ge [sflag:s5], $0x3E8  }
0x86: {  	[sflag:s5] =	ssyncset.done $0x0  }
0x87: {  	[sflag:s5] =	ssyncadd.s32 $0xFFFFFC18  }
0x88: {  	[tilespmem:s18], [sflag:$0x3] =	stream.linear.gather [hbm4b:s17+s3], $0x3E8, $0x38;
	[tilespmem:$0xCC10] =	vst v63  }
0x89: {  	_ =	swait.ge [sflag:s5], $0x3E8  }
0x8a: {  	[sflag:s5] =	ssyncset.done $0x0  }
0x8b: {  	[sflag:s5] =	ssyncadd.s32 $0xFFFFFC18  }
0x8c: {  	[tilespmem:s20], [sflag:$0x3] =	stream.linear.gather [hbm4b:s19+s3], $0x3E8, $0x38;
	[tilespmem:$0xCC10] =	vst v63  }
0x8d: {  	_ =	swait.ge [sflag:s5], $0x3E8  }
0x8e: {  	[sflag:s5] =	ssyncset.done $0x0  }
0x8f: {  	s31 =	rddreg [dreg:$0x3];
	[sflag:s5] =	ssyncadd.s32 $0xFFFFFC18  }
0x90: {  	[spmem:s21], [sflag:s22] =	dma.local [hbm:s31], $0x500  }
0x91: {  	_ =	swait.ge [sflag:s5], $0x500  }
0x92: {  	[sflag:s5] =	ssyncset.done $0x0  }
0x93: {  	[sflag:s5] =	ssyncadd.s32 $0xFFFFFB00  }
0x94: {  	[bflag:$0x0] =	sbarrier.arrive $0xFFFF  }
0x95: {  	[tilespmem:s24], [sflag:$0x1] =	stream.indirect.gather [hbm4b:s23+s7], $0x10, s3, s7, $0xb8;
	[tilespmem:$0xCC10] =	vst v63  }
0x96: {  	_ = 	snop  }
0x97: {  	[tilespmem:s25], [sflag:$0x2] =	stream.indirect.gather [hbm4b:s23+s7], $0x10, s7, s7, $0xb8;
	[tilespmem:$0xCC10] =	vst v63  }
0x98: {  	_ =	swait.ge [sflag:s26], $0x3E80  }
0x99: {  	[sflag:s26] =	ssyncset.done $0x0  }
0x9a: {  	[sflag:s26] =	ssyncadd.s32 $0xFFFFC180  }
0x9b: {  	[spmem:s2] =	stream.indirect.scatter.add.f32 [tilespmem:s24], [sflag:$0x3], $0x10, s6, s7, $0xb8;
	[tilespmem:$0xCC10] =	vst v63  }
0x9c: {  	_ =	swait.ge [sflag:s5], $0x3E80  }
0x9d: {  	[sflag:s5] =	ssyncset.done $0x0  }
0x9e: {  	[sflag:s5] =	ssyncadd.s32 $0xFFFFC180  }
0x9f: {  	[tilespmem:s24], [sflag:$0x1] =	stream.indirect.gather [hbm4b:s23+s7], $0x10, s10, s7, $0xb8;
	[tilespmem:$0xCC10] =	vst v63  }
0xa0: {  	_ =	swait.ge [sflag:s28], $0x3E80  }
0xa1: {  	[sflag:s28] =	ssyncset.done $0x0  }
0xa2: {  	[sflag:s28] =	ssyncadd.s32 $0xFFFFC180  }
0xa3: {  	[spmem:s2] =	stream.indirect.scatter.add.f32 [tilespmem:s25], [sflag:$0x3], $0x10, s8, s7, $0xb8;
	[tilespmem:$0xCC10] =	vst v63  }
0xa4: {  	_ =	swait.ge [sflag:s5], $0x3E80  }
0xa5: {  	[sflag:s5] =	ssyncset.done $0x0  }
0xa6: {  	[sflag:s5] =	ssyncadd.s32 $0xFFFFC180  }
0xa7: {  	[tilespmem:s25], [sflag:$0x2] =	stream.indirect.gather [hbm4b:s23+s7], $0x10, s14, s7, $0xb8;
	[tilespmem:$0xCC10] =	vst v63  }
0xa8: {  	_ =	swait.ge [sflag:s26], $0x3E80  }
0xa9: {  	[sflag:s26] =	ssyncset.done $0x0  }
0xaa: {  	[sflag:s26] =	ssyncadd.s32 $0xFFFFC180  }
0xab: {  	[spmem:s2] =	stream.indirect.scatter.add.f32 [tilespmem:s24], [sflag:$0x3], $0x10, s12, s7, $0xb8;
	[tilespmem:$0xCC10] =	vst v63  }
0xac: {  	_ =	swait.ge [sflag:s5], $0x3E80  }
0xad: {  	[sflag:s5] =	ssyncset.done $0x0  }
0xae: {  	[sflag:s5] =	ssyncadd.s32 $0xFFFFC180  }
0xaf: {  	[tilespmem:s24], [sflag:$0x1] =	stream.indirect.gather [hbm4b:s23+s7], $0x10, s18, s7, $0xb8;
	[tilespmem:$0xCC10] =	vst v63  }
0xb0: {  	_ =	swait.ge [sflag:s28], $0x3E80  }
0xb1: {  	[sflag:s28] =	ssyncset.done $0x0  }
0xb2: {  	[sflag:s28] =	ssyncadd.s32 $0xFFFFC180  }
0xb3: {  	[spmem:s2] =	stream.indirect.scatter.add.f32 [tilespmem:s25], [sflag:$0x3], $0x10, s16, s7, $0xb8;
	[tilespmem:$0xCC10] =	vst v63  }
0xb4: {  	_ =	swait.ge [sflag:s5], $0x3E80  }
0xb5: {  	[sflag:s5] =	ssyncset.done $0x0  }
0xb6: {  	[sflag:s5] =	ssyncadd.s32 $0xFFFFC180  }
0xb7: {  	_ =	swait.ge [sflag:s26], $0x3E80  }
0xb8: {  	[sflag:s26] =	ssyncset.done $0x0  }
0xb9: {  	[sflag:s26] =	ssyncadd.s32 $0xFFFFC180  }
0xba: {  	[spmem:s2] =	stream.indirect.scatter.add.f32 [tilespmem:s24], [sflag:$0x3], $0x10, s20, s7, $0xb8;
	[tilespmem:$0xCC10] =	vst v63  }
0xbb: {  	_ =	swait.ge [sflag:s5], $0x3E80  }
0xbc: {  	p0 =	sne.s32 s30, $0x1;
	[sflag:s5] =	ssyncset.done $0x0  }
.Ltmp1:
0xbd: {  	[sflag:s5] =	ssyncadd.s32 $0xFFFFC180;
	(pc) =	sbr.rel @p0 .LBB2_1-.Ltmp1, $4  }
0xbe: {  	[bflag:$0x0] =	sbarrier.arrive $0xFFFF  }
0xbf: {  	[hbm:s29], [sflag:s22] =	dma.local [spmem:s21], $0x500  }
0xc0: {  	_ =	swait.ge [sflag:s5], $0x500  }
0xc1: {  	s30 =	sadd.s32 $0xFFFFFFFF, s30;
	[sflag:s5] =	ssyncset.done $0x0  }
.LBB2_2:
0xc2: {  	[sflag:s5] =	ssyncadd.s32 $0xFFFFFB00  }
0xc3: {  	_ =	sfence.sel $0x180000  }
0xc4: {  	[bflag:$0x0] =	sbarrier.arrive $0xFFFF  }
0xc5: {  	_ =	strace $0x9000004D  }
0xc6: {  	s0 =	stileid.u32;
	[bflag:$0x2] =	sbarrier.arrive $0xFFFF  }
0xc7: {  	p0 =	sne.s32 s0, $0x0;
	s0 =	rddreg [dreg:$0x2]  }
0xc8: {  	s0 =	sadd.s32 @!p0 $0x100000, s0  }
0xc9: {  	[sflag:s0] =	ssyncadd.tile.s32 @!p0 $0x1;
	_ =	shalt  }
.Lfunc_end2:
_tile_overlayer_lowered:
.L_overlay_start_2:
0xca: {  	(tag) =	ssettag $0x2  }
0xcb: {  	s0 =	rddreg [dreg:$0x0];
	s2 =	stileid.u32  }
0xcc: {  	s1 =	rddreg [dreg:$0x1];
	p0 =	sne.s32 s2, $0x0  }
0xcd: {  	s3 =	rddreg [dreg:$0x2];
	[bflag:$0x3] =	sbarrier.arrive $0xFFFF;
	s2 =	simm.s32 @!p0 $0x1C03  }
0xce: {  	[timem:s3], [sflag:s2] =	dma.local @!p0 [hbm:s0], s1  }
0xcf: {  	s0 =	simm.s32 @!p0 $0x3  }
0xd0: {  	_ =	swait.ge @!p0 [sflag:s0], s1  }
0xd1: {  	s1 =	ssub.s32 @!p0 $0x0, s1;
	[sflag:s0] =	ssyncset.done @!p0 $0x0  }
0xd2: {  	[sflag:s0] =	ssyncadd.s32 @!p0 s1  }
0xd3: {  	[bflag:$0x3] =	sbarrier.arrive $0xFFFF  }
0xd4: {  	_ =	shalt  }

// kernel: kernel.9.cloned.1.call-start
scs
__scs_entry_jumppad:
0x0: {  	(pc) =	sbr.rel $0x88, $3  }
0x1: {  	(tag) =	ssettag $0x0;
	lr =	simm.s32 $0x1  }
0x2: {  	[smem:$0x3F9B] =	sst lr;
	_ =	strace $0xD0000000  }
0x3: {  	_ = 	snop  }
0x4: {  	_ = 	snop  }
0x5: {  	_ = 	snop  }
0x6: {  	_ = 	snop  }
0x7: {  	_ = 	snop  }
__scs_overlays_trampoline_lowered:
0x8: {  	[smem:$0x3FAA] =	sst s0  }
0x9: {  	[smem:$0x3FAB] =	sst s1  }
0xa: {  	[smem:$0x3FAC] =	sst s2  }
0xb: {  	[smem:$0x3FAD] =	sst s3  }
0xc: {  	[smem:$0x3FAE] =	sst s4  }
0xd: {  	[smem:$0x3FAF] =	sst s5  }
0xe: {  	[smem:$0x3FB0] =	sst s6  }
0xf: {  	[smem:$0x3FB1] =	sst s7  }
0x10: {  	[smem:$0x3FB2] =	sst s8  }
0x11: {  	[smem:$0x3FB3] =	sst s9;
	s0 =	simm.s32 @!p0 $0x0  }
0x12: {  	s1 =	sld [smem:$0x3F99];
	s0 =	simm.s32 @p0 $0x1  }
0x13: {  	[smem:$0x3FB4] =	sst s0;
	s0 =	simm.s32 @!p1 $0x0  }
0x14: {  	s2 =	sld [smem:$0x3F98];
	s0 =	simm.s32 @p1 $0x1  }
0x15: {  	[smem:$0x3FB5] =	sst s0;
	s0 =	simm.s32 @!p2 $0x0  }
0x16: {  	s3 =	sld [smem:$0x3FDB];
	s0 =	simm.s32 @p2 $0x1  }
0x17: {  	s4 =	simm.s32 $0x1BF5;
	[smem:$0x3FB7] =	sst s0  }
0x18: {  	s0 =	sld [smem:$0x3F9A];
	_ =	swait.ge [sflag:s4], $0x0  }
0x19: {  	s7 =	sld [smem:$0x3F9B]  }
0x1a: {  	s8 =	sadd.s32 $0xFFFFE003, lr  }
0x1b: {  	s9 =	sadd.s32 $0xFFFFFEF7, lr;
	s5 =	simm.s32 $0xFFFFFFFF;
	p2 =	slt.u32 s8, $0xFFFFF086  }
0x1c: {  	p1 =	slt.u32 s9, $0xF7A;
	s5 =	simm.s32 @!p2 $0x0  }
0x1d: {  	s5 =	simm.s32 @p1 $0x1;
	p0 =	seq.s32 s7, s2  }
0x1e: {  	s7 =	smul.u32 @!p0 $0xF7A, s2;
	p2 =	seq.s32 @!p0 s5, $0x0  }
0x1f: {  	s9 =	smul.u32 $0xF7A, s1;
	s8 =	simm.s32 @!p0 $0x1BF5;
	p2 =	por !p2, p0  }
0x20: {  	[sflag:s8] =	ssyncset.s32 @!p0 $0xFFFFF086;
	s6 =	sadd.s32 @!p0 s3, s7;
	s7 =	simm.s32 @!p0 $0x108  }
0x21: {  	s3 =	sadd.s32 s3, s9;
	s6 =	sadd.s32 @!p0 $0x88, s6;
	s7 =	simm.s32 @p2 $0x1082  }
0x22: {  	[simem:s7], [sflag:s8] =	dma.local @!p0 [hbm:s6], $0xF7A  }
0x23: {  	s9 =	sor.u32 $0xD0000000, s2;
	s6 =	simm.s32 $0x108;
	_ =	swait.ge @!p0 [sflag:s8], $0x0  }
0x24: {  	s3 =	sadd.s32 $0x88, s3;
	s6 =	simm.s32 @!p1 $0x1082;
	[sflag:s4] =	ssyncset.s32 $0xFFFFF086  }
0x25: {  	[simem:s6], [sflag:s4] =	dma.local [hbm:s3], $0xF7A  }
0x26: {  	[smem:$0x3F9B] =	sst s1;
	(tag) =	ssettag s2;
	_ =	strace s9  }
0x27: {  	s1 =	sld [smem:$0x3FAB]  }
0x28: {  	s2 =	sld [smem:$0x3FAC]  }
0x29: {  	s4 =	sld [smem:$0x3FAE]  }
0x2a: {  	p0 =	seq.s32 s5, $0x0;
	s5 =	sld [smem:$0x3FAF]  }
0x2b: {  	s6 =	sld [smem:$0x3FB0]  }
0x2c: {  	s7 =	sld [smem:$0x3FB1]  }
0x2d: {  	s3 =	simm.s32 $0x108;
	s8 =	sld [smem:$0x3FB2]  }
0x2e: {  	s3 =	simm.s32 @!p0 $0x1082;
	s9 =	sld [smem:$0x3FB3]  }
0x2f: {  	lr =	sadd.s32 s0, s3;
	s0 =	sld [smem:$0x3FAA]  }
0x30: {  	s3 =	sld [smem:$0x3FAD]  }
0x31: {  	[smem:$0x3FB6] =	sst s10  }
0x32: {  	s10 =	sld [smem:$0x3FB4];
	_ =	sdelay $0x3  }
0x33: {  	p0 =	seq.s32 s10, $0x1;
	s10 =	sld [smem:$0x3FB6];
	_ =	sdelay $0x3  }
0x34: {  	[smem:$0x3FB6] =	sst s10  }
0x35: {  	s10 =	sld [smem:$0x3FB5];
	_ =	sdelay $0x3  }
0x36: {  	p1 =	seq.s32 s10, $0x1;
	s10 =	sld [smem:$0x3FB6];
	_ =	sdelay $0x3  }
0x37: {  	[smem:$0x3FB6] =	sst s10  }
0x38: {  	s10 =	sld [smem:$0x3FB7]  }
0x39: {  	_ = 	snop;
	(pc) =	sbr.ind lr, $3  }
0x3a: {  	_ = 	snop  }
0x3b: {  	_ = 	snop  }
0x3c: {  	p2 =	seq.s32 s10, $0x1;
	s10 =	sld [smem:$0x3FB6]  }
0x3d: {  	_ =	shalt  }
0x3e: {  	_ =	shalt  }
0x3f: {  	_ =	shalt  }
0x40: {  	_ =	shalt  }
0x41: {  	_ =	shalt  }
0x42: {  	_ =	shalt  }
0x43: {  	_ =	shalt  }
0x44: {  	_ =	shalt  }
0x45: {  	_ =	shalt  }
0x46: {  	_ =	shalt  }
0x47: {  	_ =	shalt  }
0x48: {  	_ =	shalt  }
0x49: {  	_ =	shalt  }
0x4a: {  	_ =	shalt  }
0x4b: {  	_ =	shalt  }
0x4c: {  	_ =	shalt  }
0x4d: {  	_ =	shalt  }
0x4e: {  	_ =	shalt  }
0x4f: {  	_ =	shalt  }
0x50: {  	_ =	shalt  }
0x51: {  	_ =	shalt  }
0x52: {  	_ =	shalt  }
0x53: {  	_ =	shalt  }
0x54: {  	_ =	shalt  }
0x55: {  	_ =	shalt  }
0x56: {  	_ =	shalt  }
0x57: {  	_ =	shalt  }
0x58: {  	_ =	shalt  }
0x59: {  	_ =	shalt  }
0x5a: {  	_ =	shalt  }
0x5b: {  	_ =	shalt  }
0x5c: {  	_ =	shalt  }
0x5d: {  	_ =	shalt  }
0x5e: {  	_ =	shalt  }
0x5f: {  	_ =	shalt  }
0x60: {  	_ =	shalt  }
0x61: {  	_ =	shalt  }
0x62: {  	_ =	shalt  }
0x63: {  	_ =	shalt  }
0x64: {  	_ =	shalt  }
0x65: {  	_ =	shalt  }
0x66: {  	_ =	shalt  }
0x67: {  	_ =	shalt  }
0x68: {  	_ =	shalt  }
0x69: {  	_ =	shalt  }
0x6a: {  	_ =	shalt  }
0x6b: {  	_ =	shalt  }
0x6c: {  	_ =	shalt  }
0x6d: {  	_ =	shalt  }
0x6e: {  	_ =	shalt  }
0x6f: {  	_ =	shalt  }
0x70: {  	_ =	shalt  }
0x71: {  	_ =	shalt  }
0x72: {  	_ =	shalt  }
0x73: {  	_ =	shalt  }
0x74: {  	_ =	shalt  }
0x75: {  	_ =	shalt  }
0x76: {  	_ =	shalt  }
0x77: {  	_ =	shalt  }
0x78: {  	_ =	shalt  }
0x79: {  	_ =	shalt  }
0x7a: {  	_ =	shalt  }
0x7b: {  	_ =	shalt  }
0x7c: {  	_ =	shalt  }
0x7d: {  	_ =	shalt  }
0x7e: {  	_ =	shalt  }
0x7f: {  	_ =	shalt  }
0x80: {  	_ =	shalt  }
0x81: {  	_ =	shalt  }
0x82: {  	_ =	shalt  }
0x83: {  	_ =	shalt  }
0x84: {  	_ =	shalt  }
0x85: {  	_ =	shalt  }
0x86: {  	_ =	shalt  }
0x87: {  	_ =	shalt  }
.Lfunc_end0:
.L_simem_size_0:
called_computation_lowered:
.L_overlay_start_0:
0x88: {  	s2 =	sld [smem:$0x3FD9]  }
0x89: {  	s3 =	sld [smem:$0x3FFE];
	_ =	sdelay $0x1  }
0x8a: {  	s1 =	srdreg.scid  }
0x8b: {  	s0 =	sand.u32 $0x1, s1  }
0x8c: {  	s17 =	sshll.u32 s0, $0xA;
	s2 =	sadd.s32 s3, s2  }
0x8d: {  	s2 =	sadd.s32 s2, s17  }
0x8e: {  	[smem:$0x3FC2] =	sst s2  }
0x8f: {  	_ = 	snop  }
0x90: {  	s2 =	sld [smem:$0x3FD0];
	(tm) =	ssettm $0x1  }
0x91: {  	s18 =	sld [smem:$0x3FFB];
	_ =	sdelay $0x3  }
0x92: {  	_ =	strace s18  }
0x93: {  	s3 =	sld [smem:$0x3FFC];
	_ =	sdelay $0x3  }
0x94: {  	_ =	strace s3  }
0x95: {  	s3 =	sld [smem:$0x3FFD];
	_ =	sdelay $0x3  }
0x96: {  	_ =	strace s3  }
0x97: {  	_ =	strace $0x8FFFFFFF  }
0x98: {  	s19 =	sld [smem:$0x3FDB];
	_ =	sdelay $0x1  }
0x99: {  	s4 =	simm.s32 $_scs_section_size  }
0x9a: {  	s5 =	simm.s32 $_size__tile_overlayer_lowered;
	s6 =	simm.s32 $_tile_overlayer_lowered  }
0x9b: {  	s22 =	simm.s32 $0x1BFF;
	s21 =	sshll.u32 s6, $0x1;
	s3 =	sadd.s32 s4, s19  }
0x9c: {  	s7 =	simm.s32 $0x0;
	s20 =	sshll.u32 s5, $0x1;
	s5 =	sadd.s32 s21, s3  }
0x9d: {  	[timem:s7], [sflag:s22] =	dma.local [hbm:s5], s20  }
0x9e: {  	_ =	swait.ge [sflag:s22], s20  }
0x9f: {  	s4 =	ssub.s32 $0x0, s20;
	[sflag:s22] =	ssyncset.done $0x0  }
0xa0: {  	[sflag:s22] =	ssyncadd.s32 s4;
	_ =	sdelay $0x1  }
0xa1: {  	s23 =	simm.s32 $0x1B8B  }
0xa2: {  	_ =	swait.ge [sflag:s23], $0x1  }
0xa3: {  	[sflag:s23] =	ssyncset.done $0x0  }
0xa4: {  	s25 =	simm.s32 $0x1B8E;
	s24 =	sld [smem:$0x3FFE];
	[sflag:s23] =	ssyncadd.s32 $0xFFFFFFFF  }
0xa5: {  	s26 =	simm.s32 $execute0_lowered;
	[smem:$0x3FD2] =	sst s25  }
0xa6: {  	s5 =	sshll.u32 s26, $0x1;
	_ =	strace $0x80000046;
	[dreg:$0x1] =	wrdreg $0xFFFFFFFF  }
0xa7: {  	s28 =	simm.s32 $_size_execute0_lowered;
	s3 =	sadd.s32 s3, s5;
	[dreg:$0x0] =	wrdreg $0x0  }
0xa8: {  	s5 =	sshll.u32 s28, $0x1;
	[dreg:$0x2] =	wrdreg s3  }
0xa9: {  	[dreg:$0x3] =	wrdreg s5  }
0xaa: {  	[dreg:$0x4] =	wrdreg $0xC0  }
0xab: {  	_ =	task [dreg:s7], $0x5FFFF  }
0xac: {  	[dreg:$0x1] =	wrdreg $0xFFFFFFFF  }
0xad: {  	[dreg:$0x0] =	wrdreg $0x60  }
0xae: {  	[dreg:$0x2] =	wrdreg s24  }
0xaf: {  	[dreg:$0x3] =	wrdreg s2  }
0xb0: {  	[dreg:$0x4] =	wrdreg $0x52080  }
0xb1: {  	[dreg:$0x5] =	wrdreg $0x9  }
0xb2: {  	_ =	task.clear_ibuf [dreg:s7], $0x6FFFF;
	_ =	strace $0x90000046  }
0xb3: {  	s29 =	simm.s32 $0x9;
	_ =	strace $0x80000048  }
0xb4: {  	_ =	swait.ge [sflag:s29], $0x1  }
0xb5: {  	[sflag:s29] =	ssyncadd.s32 $0xFFFFFFFF  }
0xb6: {  	_ =	strace $0x90000048  }
0xb7: {  	_ =	sfence  }
0xb8: {  	s30 =	sld [smem:$0x0];
	_ =	sdelay $0x2  }
0xb9: {  	s31 =	sshll.u32 s1, $0xD;
	s1 =	sshrl.u32 s1, $0x2  }
0xba: {  	s3 =	sand.u32 $0x4000, s31;
	s1 =	sadd.s32 s1, s30  }
0xbb: {  	s0 =	sor.u32 s3, s0;
	s1 =	sshll.u32 s1, $0x11  }
0xbc: {  	s0 =	sor.u32 s1, s0  }
0xbd: {  	s0 =	sadd.s32 $0x8F2B, s0  }
0xbe: {  	[sflag:s0] =	ssyncadd.remote.s32 $0x1  }
0xbf: {  	_ =	sfence.sel $0xFFFF  }
0xc0: {  	[dreg:$0x0] =	wrdreg $0xFFFFFFFF;
	(pc) =	sbr.abs _section_cstart, $3  }
0xc1: {  	[dreg:$0x1] =	wrdreg $0xFFFFFFFF  }
0xc2: {  	_ =	task.clear_ibuf [dreg:s7], $0x2FFFF;
	_ =	strace $0x9FFFFFFF  }
0xc3: {  	(tm) =	ssettm $0x7FFFFFFF  }
tec
execute0_lowered:
.L_overlay_start_1:
0x0: {  	(tag) =	ssettag $0x1  }
0x1: {  	s0 =	srdreg.scid  }
0x2: {  	s23 =	sand.u32 $0x1, s0  }
0x3: {  	s0 =	stileid.u32;
	s1 =	sshll.u32 s23, $0x4  }
0x4: {  	s24 =	rddreg [dreg:$0x0];
	s1 =	sor.u32 s0, s1  }
0x5: {  	s2 =	rddreg [dreg:$0x1];
	s11 =	smul.u32 $0x1388, s1  }
0x6: {  	s3 =	rddreg [dreg:$0x2];
	s4 =	simm.s32 $0x0  }
0x7: {  	s12 =	sadd.s32 $0x3800, s24;
	[smem:$0x7FF] =	sst s4;
	s5 =	sshrl.u32 s11, $0x3  }
0x8: {  	s1 =	rddreg [dreg:$0x3];
	s13 =	sadd.s32 s12, s5  }
0x9: {  	_ =	strace $0x80000047;
	s5 =	simm.s32 $0x6;
	s6 =	sadd.s32 $0x4E20, s13  }
0xa: {  	[tilespmem:s4], [sflag:$0x6] =	stream.linear.gather [hbm4b:s6+s4], $0x3E8, $0x38;
	[tilespmem:$0x7A08] =	vst v63  }
0xb: {  	s7 =	sadd.s32 $0x274E8, s11;
	_ =	swait.ge [sflag:s5], $0x3E8  }
0xc: {  	s7 =	sshrl.u32 s7, $0x3;
	[sflag:s5] =	ssyncset.done $0x0  }
0xd: {  	s8 =	simm.s32 $0x3E8;
	s7 =	sadd.s32 s12, s7;
	[sflag:s5] =	ssyncadd.s32 $0xFFFFFC18  }
0xe: {  	[tilespmem:s8], [sflag:$0x6] =	stream.linear.gather [hbm4b:s7+s4], $0x3E8, $0x38;
	[tilespmem:$0x7A08] =	vst v63  }
0xf: {  	_ =	swait.ge [sflag:s5], $0x3E8  }
0x10: {  	[sflag:s5] =	ssyncset.done $0x0  }
0x11: {  	s10 =	simm.s32 $0x7D0;
	s9 =	sadd.s32 $0x4F1A, s13;
	[sflag:s5] =	ssyncadd.s32 $0xFFFFFC18  }
0x12: {  	[tilespmem:s10], [sflag:$0x6] =	stream.linear.gather [hbm4b:s9+s4], $0x3E8, $0x38;
	[tilespmem:$0x7A08] =	vst v63  }
0x13: {  	s11 =	sadd.s32 $0x27CB8, s11;
	_ =	swait.ge [sflag:s5], $0x3E8  }
0x14: {  	s11 =	sshrl.u32 s11, $0x3;
	[sflag:s5] =	ssyncset.done $0x0  }
0x15: {  	s11 =	sadd.s32 s12, s11;
	s12 =	simm.s32 $0xBB8;
	[sflag:s5] =	ssyncadd.s32 $0xFFFFFC18  }
0x16: {  	[tilespmem:s12], [sflag:$0x6] =	stream.linear.gather [hbm4b:s11+s4], $0x3E8, $0x38;
	[tilespmem:$0x7A08] =	vst v63  }
0x17: {  	_ =	swait.ge [sflag:s5], $0x3E8  }
0x18: {  	[sflag:s5] =	ssyncset.done $0x0  }
0x19: {  	s14 =	simm.s32 $0xFA0;
	s13 =	sadd.s32 $0x5014, s13;
	[sflag:s5] =	ssyncadd.s32 $0xFFFFFC18  }
0x1a: {  	[tilespmem:s14], [sflag:$0x6] =	stream.linear.gather [hbm4b:s13+s4], $0x3E8, $0x38;
	[tilespmem:$0x7A08] =	vst v63  }
0x1b: {  	_ =	swait.ge [sflag:s5], $0x3E8  }
0x1c: {  	[sflag:s5] =	ssyncset.done $0x0  }
0x1d: {  	s15 =	simm.s32 $0x1388;
	s25 =	smul.u32 $0x2800, s0;
	[sflag:s5] =	ssyncadd.s32 $0xFFFFFC18  }
0x1e: {  	[tilespmem:s15], [sflag:$0x6] =	stream.linear.gather [hbm4b:s2+s4], $0x3E80, $0x38;
	[tilespmem:$0x7A08] =	vst v63  }
0x1f: {  	s16 =	sadd.s32 $0xD600, s24;
	_ =	swait.ge [sflag:s5], $0x3E80  }
0x20: {  	s17 =	sshll.u32 s0, $0x6;
	s18 =	sadd.s32 s25, s3;
	[sflag:s5] =	ssyncset.done $0x0  }
0x21: {  	s17 =	sor.u32 $0x1C06, s17;
	s18 =	sshrl.u32 s18, $0x3;
	[sflag:s5] =	ssyncadd.s32 $0xFFFFC180  }
0x22: {  	[spmem:s18], [sflag:s17] =	dma.local [hbm:s16], $0x500  }
0x23: {  	_ =	swait.ge [sflag:s5], $0x500  }
0x24: {  	[sflag:s5] =	ssyncset.done $0x0  }
0x25: {  	[sflag:s5] =	ssyncadd.s32 $0xFFFFFB00  }
0x26: {  	[bflag:$0x0] =	sbarrier.arrive $0xFFFF  }
0x27: {  	[spmem:s3] =	stream.indirect.scatter.add.f32 [tilespmem:s15], [sflag:$0x1], $0x10, s4, s8, $0xb8;
	[tilespmem:$0x7A08] =	vst v63  }
0x28: {  	_ = 	snop  }
0x29: {  	[spmem:s3] =	stream.indirect.scatter.add.f32 [tilespmem:s15], [sflag:$0x2], $0x10, s8, s8, $0xb8;
	[tilespmem:$0x7A08] =	vst v63  }
0x2a: {  	_ = 	snop  }
0x2b: {  	[spmem:s3] =	stream.indirect.scatter.add.f32 [tilespmem:s15], [sflag:$0x3], $0x10, s10, s8, $0xb8;
	[tilespmem:$0x7A08] =	vst v63  }
0x2c: {  	_ = 	snop  }
0x2d: {  	[spmem:s3] =	stream.indirect.scatter.add.f32 [tilespmem:s15], [sflag:$0x4], $0x10, s12, s8, $0xb8;
	[tilespmem:$0x7A08] =	vst v63  }
0x2e: {  	s19 =	simm.s32 $0x1  }
0x2f: {  	[spmem:s3] =	stream.indirect.scatter.add.f32 [tilespmem:s15], [sflag:$0x5], $0x10, s14, s8, $0xb8;
	[tilespmem:$0x7A08] =	vst v63  }
0x30: {  	_ =	swait.ge [sflag:s19], $0x3E80  }
0x31: {  	[sflag:s19] =	ssyncset.done $0x0  }
0x32: {  	s20 =	simm.s32 $0x2;
	[sflag:s19] =	ssyncadd.s32 $0xFFFFC180  }
0x33: {  	_ =	swait.ge [sflag:s20], $0x3E80  }
0x34: {  	[sflag:s20] =	ssyncset.done $0x0  }
0x35: {  	s21 =	simm.s32 $0x3;
	[sflag:s20] =	ssyncadd.s32 $0xFFFFC180  }
0x36: {  	_ =	swait.ge [sflag:s21], $0x3E80  }
0x37: {  	[sflag:s21] =	ssyncset.done $0x0  }
0x38: {  	s22 =	simm.s32 $0x4;
	[sflag:s21] =	ssyncadd.s32 $0xFFFFC180  }
0x39: {  	s29 =	simm.s32 $0x12C00;
	s26 =	ssub.s32 $0x2, s23;
	_ =	swait.ge [sflag:s22], $0x3E80  }
0x3a: {  	p0 =	seq.s32 s23, $0x1;
	s28 =	sshrl.u32 s26, $0x1;
	[sflag:s22] =	ssyncset.done $0x0  }
0x3b: {  	s23 =	simm.s32 $0x5;
	s26 =	ssub.s32 s26, s28;
	[sflag:s22] =	ssyncadd.s32 $0xFFFFC180  }
0x3c: {  	s29 =	simm.s32 @!p0 $0xDC00;
	s31 =	smax.u32 s26, $0x1;
	_ =	swait.ge [sflag:s23], $0x3E80  }
0x3d: {  	s24 =	sadd.s32 s29, s24;
	p0 =	sne.s32 s31, $0x1;
	[sflag:s23] =	ssyncset.done $0x0  }
.Ltmp0:
0x3e: {  	s25 =	sshrl.u32 s25, $0x3;
	[sflag:s23] =	ssyncadd.s32 $0xFFFFC180;
	(pc) =	sbr.rel @!p0 .LBB2_2-.Ltmp0, $4  }
0x3f: {  	s24 =	sadd.s32 s24, s25;
	[bflag:$0x0] =	sbarrier.arrive $0xFFFF  }
0x40: {  	[hbm:s24], [sflag:s17] =	dma.local [spmem:s18], $0x500  }
0x41: {  	_ =	swait.ge [sflag:s5], $0x500  }
0x42: {  	s25 =	sadd.s32 $0xFFFFFFFF, s31;
	[sflag:s5] =	ssyncset.done $0x0  }
.LBB2_1:
0x43: {  	p0 =	sne.s32 s25, $0x1;
	s25 =	sadd.s32 $0xFFFFFFFF, s25;
	[sflag:s5] =	ssyncadd.s32 $0xFFFFFB00  }
0x44: {  	[tilespmem:s4], [sflag:$0x6] =	stream.linear.gather [hbm4b:s6+s4], $0x3E8, $0x38;
	[tilespmem:$0x7A08] =	vst v63  }
0x45: {  	_ =	swait.ge [sflag:s5], $0x3E8  }
0x46: {  	[sflag:s5] =	ssyncset.done $0x0  }
0x47: {  	[sflag:s5] =	ssyncadd.s32 $0xFFFFFC18  }
0x48: {  	[tilespmem:s8], [sflag:$0x6] =	stream.linear.gather [hbm4b:s7+s4], $0x3E8, $0x38;
	[tilespmem:$0x7A08] =	vst v63  }
0x49: {  	_ =	swait.ge [sflag:s5], $0x3E8  }
0x4a: {  	[sflag:s5] =	ssyncset.done $0x0  }
0x4b: {  	[sflag:s5] =	ssyncadd.s32 $0xFFFFFC18  }
0x4c: {  	[tilespmem:s10], [sflag:$0x6] =	stream.linear.gather [hbm4b:s9+s4], $0x3E8, $0x38;
	[tilespmem:$0x7A08] =	vst v63  }
0x4d: {  	_ =	swait.ge [sflag:s5], $0x3E8  }
0x4e: {  	[sflag:s5] =	ssyncset.done $0x0  }
0x4f: {  	[sflag:s5] =	ssyncadd.s32 $0xFFFFFC18  }
0x50: {  	[tilespmem:s12], [sflag:$0x6] =	stream.linear.gather [hbm4b:s11+s4], $0x3E8, $0x38;
	[tilespmem:$0x7A08] =	vst v63  }
0x51: {  	_ =	swait.ge [sflag:s5], $0x3E8  }
0x52: {  	[sflag:s5] =	ssyncset.done $0x0  }
0x53: {  	[sflag:s5] =	ssyncadd.s32 $0xFFFFFC18  }
0x54: {  	[tilespmem:s14], [sflag:$0x6] =	stream.linear.gather [hbm4b:s13+s4], $0x3E8, $0x38;
	[tilespmem:$0x7A08] =	vst v63  }
0x55: {  	_ =	swait.ge [sflag:s5], $0x3E8  }
0x56: {  	[sflag:s5] =	ssyncset.done $0x0  }
0x57: {  	[sflag:s5] =	ssyncadd.s32 $0xFFFFFC18  }
0x58: {  	[tilespmem:s15], [sflag:$0x6] =	stream.linear.gather [hbm4b:s2+s4], $0x3E80, $0x38;
	[tilespmem:$0x7A08] =	vst v63  }
0x59: {  	_ =	swait.ge [sflag:s5], $0x3E80  }
0x5a: {  	[sflag:s5] =	ssyncset.done $0x0  }
0x5b: {  	[sflag:s5] =	ssyncadd.s32 $0xFFFFC180  }
0x5c: {  	[spmem:s18], [sflag:s17] =	dma.local [hbm:s16], $0x500  }
0x5d: {  	_ =	swait.ge [sflag:s5], $0x500  }
0x5e: {  	[sflag:s5] =	ssyncset.done $0x0  }
0x5f: {  	[sflag:s5] =	ssyncadd.s32 $0xFFFFFB00  }
0x60: {  	[bflag:$0x0] =	sbarrier.arrive $0xFFFF  }
0x61: {  	[spmem:s3] =	stream.indirect.scatter.add.f32 [tilespmem:s15], [sflag:$0x1], $0x10, s4, s8, $0xb8;
	[tilespmem:$0x7A08] =	vst v63  }
0x62: {  	_ = 	snop  }
0x63: {  	[spmem:s3] =	stream.indirect.scatter.add.f32 [tilespmem:s15], [sflag:$0x2], $0x10, s8, s8, $0xb8;
	[tilespmem:$0x7A08] =	vst v63  }
0x64: {  	_ = 	snop  }
0x65: {  	[spmem:s3] =	stream.indirect.scatter.add.f32 [tilespmem:s15], [sflag:$0x3], $0x10, s10, s8, $0xb8;
	[tilespmem:$0x7A08] =	vst v63  }
0x66: {  	_ = 	snop  }
0x67: {  	[spmem:s3] =	stream.indirect.scatter.add.f32 [tilespmem:s15], [sflag:$0x4], $0x10, s12, s8, $0xb8;
	[tilespmem:$0x7A08] =	vst v63  }
0x68: {  	_ = 	snop  }
0x69: {  	[spmem:s3] =	stream.indirect.scatter.add.f32 [tilespmem:s15], [sflag:$0x5], $0x10, s14, s8, $0xb8;
	[tilespmem:$0x7A08] =	vst v63  }
0x6a: {  	_ =	swait.ge [sflag:s19], $0x3E80  }
0x6b: {  	[sflag:s19] =	ssyncset.done $0x0  }
0x6c: {  	[sflag:s19] =	ssyncadd.s32 $0xFFFFC180  }
0x6d: {  	_ =	swait.ge [sflag:s20], $0x3E80  }
0x6e: {  	[sflag:s20] =	ssyncset.done $0x0  }
0x6f: {  	[sflag:s20] =	ssyncadd.s32 $0xFFFFC180  }
0x70: {  	_ =	swait.ge [sflag:s21], $0x3E80  }
0x71: {  	[sflag:s21] =	ssyncset.done $0x0  }
0x72: {  	[sflag:s21] =	ssyncadd.s32 $0xFFFFC180  }
0x73: {  	_ =	swait.ge [sflag:s22], $0x3E80  }
0x74: {  	[sflag:s22] =	ssyncset.done $0x0  }
0x75: {  	[sflag:s22] =	ssyncadd.s32 $0xFFFFC180  }
0x76: {  	_ =	swait.ge [sflag:s23], $0x3E80  }
0x77: {  	[sflag:s23] =	ssyncset.done $0x0  }
.Ltmp1:
0x78: {  	[sflag:s23] =	ssyncadd.s32 $0xFFFFC180;
	(pc) =	sbr.rel @p0 .LBB2_1-.Ltmp1, $4  }
0x79: {  	[bflag:$0x0] =	sbarrier.arrive $0xFFFF  }
0x7a: {  	[hbm:s24], [sflag:s17] =	dma.local [spmem:s18], $0x500  }
0x7b: {  	_ =	swait.ge [sflag:s5], $0x500  }
0x7c: {  	[sflag:s5] =	ssyncset.done $0x0  }
.LBB2_2:
0x7d: {  	[sflag:s5] =	ssyncadd.s32 $0xFFFFFB00  }
0x7e: {  	_ =	sfence.sel $0x180000  }
0x7f: {  	[bflag:$0x0] =	sbarrier.arrive $0xFFFF  }
0x80: {  	p0 =	sne.s32 s0, $0x0;
	_ =	strace $0x90000047  }
0x81: {  	s0 =	sadd.s32 @!p0 $0x100000, s1;
	[bflag:$0x2] =	sbarrier.arrive $0xFFFF  }
0x82: {  	[sflag:s0] =	ssyncadd.tile.s32 @!p0 $0x1;
	_ =	shalt  }
.Lfunc_end2:
_tile_overlayer_lowered:
.L_overlay_start_2:
0x83: {  	(tag) =	ssettag $0x2  }
0x84: {  	s0 =	rddreg [dreg:$0x0];
	s2 =	stileid.u32  }
0x85: {  	s1 =	rddreg [dreg:$0x1];
	p0 =	sne.s32 s2, $0x0  }
0x86: {  	s3 =	rddreg [dreg:$0x2];
	[bflag:$0x3] =	sbarrier.arrive $0xFFFF;
	s2 =	simm.s32 @!p0 $0x1C06  }
0x87: {  	[timem:s3], [sflag:s2] =	dma.local @!p0 [hbm:s0], s1  }
0x88: {  	s0 =	simm.s32 @!p0 $0x6  }
0x89: {  	_ =	swait.ge @!p0 [sflag:s0], s1  }
0x8a: {  	s1 =	ssub.s32 @!p0 $0x0, s1;
	[sflag:s0] =	ssyncset.done @!p0 $0x0  }
0x8b: {  	[sflag:s0] =	ssyncadd.s32 @!p0 s1  }
0x8c: {  	[bflag:$0x3] =	sbarrier.arrive $0xFFFF  }
0x8d: {  	_ =	shalt  }

</sc_bundles>
